<compile_context>
chip_gen: v7x
topology: tpu7x:2x2x1
jax: 0.10.2.dev20260603
libtpu: 0.0.44.dev20260713+nightly
codegen_flags: <defaults>
</compile_context>

<pallas_src>
import jax
import jax.numpy as jnp
from jax import lax
from jax.experimental import pallas as pl
from jax.experimental.pallas import tpu as pltpu
from jax.experimental.pallas import tpu_sc as plsc

_NC, _NS = 2, 16
_NW = _NC * _NS
_L = 16


def _sc_gather_t(tables_t, x_t):
    f, d, v = tables_t.shape
    bsz = x_t.shape[1]
    n_rows = f * d
    rpw = n_rows // _NW
    bc = 4096
    n_bc = bsz // bc

    mesh = plsc.VectorSubcoreMesh(core_axis_name="c", subcore_axis_name="s")

    def body(tab_hbm, x_hbm, val_hbm, row_v, xb_v, va_v, vb_v, semr, semx, semv):
        wid = lax.axis_index("s") * _NC + lax.axis_index("c")
        j0 = wid * rpw

        def start_row(jj):
            fi2 = lax.shift_right_logical(jj, 4)
            dd2 = lax.bitwise_and(jj, d - 1)
            pltpu.async_copy(tab_hbm.at[fi2, dd2, :], row_v, semr)

        start_row(j0)

        def row_task(r, prev_fi):
            j = j0 + r
            fi = lax.shift_right_logical(j, 4)
            dd = lax.bitwise_and(j, d - 1)

            @pl.when(fi != prev_fi)
            def _load_x():
                pltpu.async_copy(x_hbm.at[fi, :], xb_v, semx).wait()

            pltpu.make_async_copy(tab_hbm.at[fi, dd, :], row_v, semr).wait()

            bufs = (va_v, vb_v)
            for c in range(n_bc):
                buf = bufs[c % 2]
                if c >= 2:
                    pltpu.make_async_copy(
                        buf, val_hbm.at[j, pl.ds(0, bc)], semv
                    ).wait()
                else:
                    @pl.when(r > 0)
                    def _w():
                        pltpu.make_async_copy(
                            buf, val_hbm.at[j, pl.ds(0, bc)], semv
                        ).wait()

                b0 = c * bc

                def gat(k, carry3):
                    base = b0 + k * (8 * _L)
                    idxs = [xb_v[pl.ds(base + t * _L, _L)] for t in range(8)]
                    gs = [plsc.load_gather(row_v, [ix]) for ix in idxs]
                    for t in range(8):
                        buf[pl.ds(k * (8 * _L) + t * _L, _L)] = gs[t]
                    return carry3

                lax.fori_loop(0, bc // (8 * _L), gat, 0)
                pltpu.async_copy(buf, val_hbm.at[j, pl.ds(b0, bc)], semv)

            @pl.when(r + 1 < rpw)
            def _prefetch():
                start_row(j + 1)

            return fi

        lax.fori_loop(0, rpw, row_task, jnp.int32(-1))
        pltpu.make_async_copy(va_v, val_hbm.at[0, pl.ds(0, bc)], semv).wait()
        pltpu.make_async_copy(vb_v, val_hbm.at[0, pl.ds(0, bc)], semv).wait()

    fn = pl.kernel(
        body,
        name="sc_embed_gather",
        out_type=jax.ShapeDtypeStruct((n_rows, bsz), jnp.float32),
        mesh=mesh,
        scratch_types=[
            pltpu.VMEM((v,), jnp.float32),
            pltpu.VMEM((bsz,), jnp.int32),
            pltpu.VMEM((bc,), jnp.float32),
            pltpu.VMEM((bc,), jnp.float32),
            pltpu.SemaphoreType.DMA,
            pltpu.SemaphoreType.DMA,
            pltpu.SemaphoreType.DMA,
        ],
        compiler_params=pltpu.CompilerParams(
            use_tc_tiling_on_sc=True, needs_layout_passes=False
        ),
    )
    return fn(tables_t, x_t)


def _tc_project_t(val, w, b):
    k, bsz = val.shape
    o = w.shape[0]
    bm = 4096

    def body(w_ref, v_ref, b_ref, o_ref):
        o_ref[...] = (
            jax.lax.dot_general(
                w_ref[...], v_ref[...],
                (((1,), (0,)), ((), ())),
                preferred_element_type=jnp.float32,
            )
            + b_ref[...]
        )

    return pl.pallas_call(
        body,
        grid=(bsz // bm,),
        in_specs=[
            pl.BlockSpec((o, k), lambda i: (0, 0)),
            pl.BlockSpec((k, bm), lambda i: (0, i)),
            pl.BlockSpec((o, 1), lambda i: (0, 0)),
        ],
        out_specs=pl.BlockSpec((o, bm), lambda i: (0, i)),
        out_shape=jax.ShapeDtypeStruct((o, bsz), jnp.float32),
    )(w, val, b.reshape(o, 1))


def kernel(x, tables, W, b):
    tables_t = jnp.transpose(tables, (0, 2, 1))
    x_t = x.T
    val = _sc_gather_t(tables_t, x_t)
    out_t = _tc_project_t(val, W, b)
    return out_t.T

# --- scband reference (transcript-rebuilt; emitter-appended) ---
"""Pipeline reference for scband-categorical-encoder-60627758350869 (READ-ONLY COPY).

The authoritative reference and input builder live on the scoring server;
editing this copy changes nothing except your own understanding.
"""

import jax, jax.numpy as jnp
import numpy as np

NUM_FEATURES = 26
VOCAB = 100000
EMB_DIM = 16
OUT_DIM = 32
BATCH = 16384


def setup_inputs(seed: int = 0) -> dict:
    key = jax.random.key(seed)
    k1, k2, k3 = jax.random.split(key, 3)
    x = jax.random.randint(k1, (BATCH, NUM_FEATURES), 0, VOCAB, dtype=jnp.int32)
    # Stacked per-feature embedding tables: [F, V, D] (each slice is one nn.Embedding table)
    tables = jax.random.normal(k2, (NUM_FEATURES, VOCAB, EMB_DIM), dtype=jnp.float32)
    # Linear projection: concat_dim = F*D -> OUT_DIM
    W = jax.random.normal(k3, (OUT_DIM, NUM_FEATURES * EMB_DIM), dtype=jnp.float32) * 0.02
    b = jnp.zeros((OUT_DIM,), dtype=jnp.float32)
    return {"x": x, "tables": tables, "W": W, "b": b}


def reference(x, tables, W, b):
    # Per-feature embedding lookup: emb[b, f, :] = tables[f, x[b, f], :]
    feat_idx = jnp.arange(NUM_FEATURES)[None, :]  # [1, F]
    emb = tables[feat_idx, x]  # [B, F, D] (gather)
    # Concatenate along feature axis (same layout as torch.cat of per-feature embeddings)
    concat = emb.reshape(x.shape[0], NUM_FEATURES * EMB_DIM)
    # Linear projection
    out = concat @ W.T + b
    return out

if __name__ == "__main__":
    import jax
    _d = setup_inputs()
    print(jax.jit(kernel)(*tuple(_d.values())))

</pallas_src>

<mosaic_0001>
#map = affine_map<(d0, d1) -> (0, 0, 0)>
#map1 = affine_map<(d0, d1) -> (0, 0)>
module attributes {stable_mosaic.version = 14 : i64} {
  func.func @sc_embed_gather(%arg0: i32, %arg1: i32, %arg2: memref<26x16x100000xf32, #tpu.memory_space<hbm>>, %arg3: memref<26x16384xi32, #tpu.memory_space<hbm>>, %arg4: memref<416x16384xf32, #tpu.memory_space<hbm>>, %arg5: memref<100000xf32, #tpu.memory_space<vmem>>, %arg6: memref<16384xi32, #tpu.memory_space<vmem>>, %arg7: memref<4096xf32, #tpu.memory_space<vmem>>, %arg8: memref<4096xf32, #tpu.memory_space<vmem>>, %arg9: memref<!tpu.dma_semaphore, #tpu.memory_space<semaphore_mem>>, %arg10: memref<!tpu.dma_semaphore, #tpu.memory_space<semaphore_mem>>, %arg11: memref<!tpu.dma_semaphore, #tpu.memory_space<semaphore_mem>>) attributes {dimension_semantics = [#tpu.dimension_semantics<core_parallel>, #tpu.dimension_semantics<subcore_parallel>], iteration_bounds = array<i64: 2, 16>, scalar_prefetch = 0 : i64, scratch_operands = 7 : i64, tpu.core_type = #tpu.core_type<sc_vector_subcore>, window_params = [{transform_indices = #map}, {transform_indices = #map1}, {transform_indices = #map1}]} {
    %mul3A = arith.constant 2 : i32
    %mul3A_0 = arith.muli %arg1, %mul3A : i32
    %add3A = arith.addi %mul3A_0, %arg0 : i32
    %mul3A_1 = arith.constant 13 : i32
    %mul3A_2 = arith.muli %add3A, %mul3A_1 : i32
    %shift_right_logical3A = arith.constant 4 : i32
    %shift_right_logical3A_3 = arith.shrui %mul3A_2, %shift_right_logical3A : i32
    %and3A = arith.constant 15 : i32
    %and3A_4 = arith.andi %mul3A_2, %and3A : i32
    %dma_start3A = arith.constant 0 : i32
    %dma_start3A_5 = tpu.memref_slice %arg2[%shift_right_logical3A_3, %and3A_4, %dma_start3A] : memref<26x16x100000xf32, #tpu.memory_space<hbm>> -> memref<1x1x100000xf32, #tpu.memory_space<hbm>>
    %dma_start3A_6 = tpu.memref_squeeze %dma_start3A_5 : memref<1x1x100000xf32, #tpu.memory_space<hbm>> -> memref<100000xf32, #tpu.memory_space<hbm>>
    %dma_start3A_7 = arith.constant 0 : i32
    %dma_start3A_8 = tpu.memref_slice %arg2[%shift_right_logical3A_3, %and3A_4, %dma_start3A_7] : memref<26x16x100000xf32, #tpu.memory_space<hbm>> -> memref<1x1x100000xf32, #tpu.memory_space<hbm>>
    %dma_start3A_9 = tpu.memref_squeeze %dma_start3A_8 : memref<1x1x100000xf32, #tpu.memory_space<hbm>> -> memref<100000xf32, #tpu.memory_space<hbm>>
    tpu.enqueue_dma source(%dma_start3A_9 : memref<100000xf32, #tpu.memory_space<hbm>>) target(%arg5 : memref<100000xf32, #tpu.memory_space<vmem>>) target_semaphore(%arg9 : memref<!tpu.dma_semaphore, #tpu.memory_space<semaphore_mem>>)
    %scan3A = arith.constant -1 : i32
    %scan3A_10 = arith.constant 0 : i32
    %scan3A_11 = arith.constant 13 : i32
    %scan3A_12 = arith.addi %scan3A_10, %scan3A_11 : i32
    %scan3A_13 = arith.constant 1 : i32
    %scan3A_14 = scf.for %scan3A_29 = %scan3A_10 to %scan3A_12 step %scan3A_13 iter_args(%scan3A_30 = %scan3A) -> (i32)  : i32 {
      %add3A_31 = arith.addi %mul3A_2, %scan3A_29 : i32
      %shift_right_logical3A_32 = arith.constant 4 : i32
      %shift_right_logical3A_33 = arith.shrui %add3A_31, %shift_right_logical3A_32 : i32
      %and3A_34 = arith.constant 15 : i32
      %and3A_35 = arith.andi %add3A_31, %and3A_34 : i32
      %ne3A = arith.cmpi ne, %shift_right_logical3A_33, %scan3A_30 : i32
      %convert_element_type3A = arith.extui %ne3A : i1 to i32
      %cond3A = arith.constant 0 : i32
      %cond3A_36 = arith.cmpi ne, %convert_element_type3A, %cond3A : i32
      scf.if %cond3A_36 {
        %dma_start3A_118 = arith.constant 0 : i32
        %dma_start3A_119 = tpu.memref_slice %arg3[%shift_right_logical3A_33, %dma_start3A_118] : memref<26x16384xi32, #tpu.memory_space<hbm>> -> memref<1x16384xi32, #tpu.memory_space<hbm>>
        %dma_start3A_120 = tpu.memref_squeeze %dma_start3A_119 : memref<1x16384xi32, #tpu.memory_space<hbm>> -> memref<16384xi32, #tpu.memory_space<hbm>>
        %dma_start3A_121 = arith.constant 0 : i32
        %dma_start3A_122 = tpu.memref_slice %arg3[%shift_right_logical3A_33, %dma_start3A_121] : memref<26x16384xi32, #tpu.memory_space<hbm>> -> memref<1x16384xi32, #tpu.memory_space<hbm>>
        %dma_start3A_123 = tpu.memref_squeeze %dma_start3A_122 : memref<1x16384xi32, #tpu.memory_space<hbm>> -> memref<16384xi32, #tpu.memory_space<hbm>>
        tpu.enqueue_dma source(%dma_start3A_123 : memref<16384xi32, #tpu.memory_space<hbm>>) target(%arg6 : memref<16384xi32, #tpu.memory_space<vmem>>) target_semaphore(%arg10 : memref<!tpu.dma_semaphore, #tpu.memory_space<semaphore_mem>>)
        %dma_wait3A_124 = arith.constant 0 : i32
        %dma_wait3A_125 = tpu.memref_slice %arg3[%shift_right_logical3A_33, %dma_wait3A_124] : memref<26x16384xi32, #tpu.memory_space<hbm>> -> memref<1x16384xi32, #tpu.memory_space<hbm>>
        %dma_wait3A_126 = tpu.memref_squeeze %dma_wait3A_125 : memref<1x16384xi32, #tpu.memory_space<hbm>> -> memref<16384xi32, #tpu.memory_space<hbm>>
        %dma_wait3A_127 = arith.constant 0 : i32
        %dma_wait3A_128 = tpu.memref_slice %arg3[%shift_right_logical3A_33, %dma_wait3A_127] : memref<26x16384xi32, #tpu.memory_space<hbm>> -> memref<1x16384xi32, #tpu.memory_space<hbm>>
        %dma_wait3A_129 = tpu.memref_squeeze %dma_wait3A_128 : memref<1x16384xi32, #tpu.memory_space<hbm>> -> memref<16384xi32, #tpu.memory_space<hbm>>
        tpu.wait_dma2 semaphore(%arg10 : memref<!tpu.dma_semaphore, #tpu.memory_space<semaphore_mem>>) src(%dma_wait3A_129 : memref<16384xi32, #tpu.memory_space<hbm>>) dst(%arg6 : memref<16384xi32, #tpu.memory_space<vmem>>)
      } else {
      }
      %dma_wait3A_37 = arith.constant 0 : i32
      %dma_wait3A_38 = tpu.memref_slice %arg2[%shift_right_logical3A_33, %and3A_35, %dma_wait3A_37] : memref<26x16x100000xf32, #tpu.memory_space<hbm>> -> memref<1x1x100000xf32, #tpu.memory_space<hbm>>
      %dma_wait3A_39 = tpu.memref_squeeze %dma_wait3A_38 : memref<1x1x100000xf32, #tpu.memory_space<hbm>> -> memref<100000xf32, #tpu.memory_space<hbm>>
      %dma_wait3A_40 = arith.constant 0 : i32
      %dma_wait3A_41 = tpu.memref_slice %arg2[%shift_right_logical3A_33, %and3A_35, %dma_wait3A_40] : memref<26x16x100000xf32, #tpu.memory_space<hbm>> -> memref<1x1x100000xf32, #tpu.memory_space<hbm>>
      %dma_wait3A_42 = tpu.memref_squeeze %dma_wait3A_41 : memref<1x1x100000xf32, #tpu.memory_space<hbm>> -> memref<100000xf32, #tpu.memory_space<hbm>>
      tpu.wait_dma2 semaphore(%arg9 : memref<!tpu.dma_semaphore, #tpu.memory_space<semaphore_mem>>) src(%dma_wait3A_42 : memref<100000xf32, #tpu.memory_space<hbm>>) dst(%arg5 : memref<100000xf32, #tpu.memory_space<vmem>>)
      %gt3A = arith.constant 0 : i32
      %gt3A_43 = arith.cmpi sgt, %scan3A_29, %gt3A : i32
      %convert_element_type3A_44 = arith.extui %gt3A_43 : i1 to i32
      %cond3A_45 = arith.constant 0 : i32
      %cond3A_46 = arith.cmpi ne, %convert_element_type3A_44, %cond3A_45 : i32
      scf.if %cond3A_46 {
        %dma_wait3A_118 = arith.constant 0 : i32
        %dma_wait3A_119 = tpu.memref_slice %arg4[%add3A_31, %dma_wait3A_118] : memref<416x16384xf32, #tpu.memory_space<hbm>> -> memref<1x4096xf32, #tpu.memory_space<hbm>>
        %dma_wait3A_120 = tpu.memref_squeeze %dma_wait3A_119 : memref<1x4096xf32, #tpu.memory_space<hbm>> -> memref<4096xf32, #tpu.memory_space<hbm>>
        %dma_wait3A_121 = arith.constant 0 : i32
        %dma_wait3A_122 = tpu.memref_slice %arg4[%add3A_31, %dma_wait3A_121] : memref<416x16384xf32, #tpu.memory_space<hbm>> -> memref<1x4096xf32, #tpu.memory_space<hbm>>
        %dma_wait3A_123 = tpu.memref_squeeze %dma_wait3A_122 : memref<1x4096xf32, #tpu.memory_space<hbm>> -> memref<4096xf32, #tpu.memory_space<hbm>>
        tpu.wait_dma2 semaphore(%arg11 : memref<!tpu.dma_semaphore, #tpu.memory_space<semaphore_mem>>) src(%arg7 : memref<4096xf32, #tpu.memory_space<vmem>>) dst(%dma_wait3A_123 : memref<4096xf32, #tpu.memory_space<hbm>>)
      } else {
      }
      %scan3A_47 = arith.constant 0 : i32
      %scan3A_48 = arith.constant 0 : i32
      %scan3A_49 = arith.constant 32 : i32
      %scan3A_50 = arith.addi %scan3A_48, %scan3A_49 : i32
      %scan3A_51 = arith.constant 1 : i32
      scf.for %scan3A_118 = %scan3A_48 to %scan3A_50 step %scan3A_51  : i32 {
        %mul3A_119 = arith.constant 128 : i32
        %mul3A_120 = arith.muli %scan3A_118, %mul3A_119 : i32
        %add3A_121 = arith.constant 0 : i32
        %add3A_122 = arith.addi %add3A_121, %mul3A_120 : i32
        %add3A_123 = arith.constant 0 : i32
        %add3A_124 = arith.addi %add3A_122, %add3A_123 : i32
        %get3A = arith.index_cast %add3A_124 : i32 to index
        %get3A_125 = tpu.vector_load %arg6[%get3A] {strides = array<i32>} : memref<16384xi32, #tpu.memory_space<vmem>>, vector<16xi32>,
        %add3A_126 = arith.constant 16 : i32
        %add3A_127 = arith.addi %add3A_122, %add3A_126 : i32
        %get3A_128 = arith.index_cast %add3A_127 : i32 to index
        %get3A_129 = tpu.vector_load %arg6[%get3A_128] {strides = array<i32>} : memref<16384xi32, #tpu.memory_space<vmem>>, vector<16xi32>,
        %add3A_130 = arith.constant 32 : i32
        %add3A_131 = arith.addi %add3A_122, %add3A_130 : i32
        %get3A_132 = arith.index_cast %add3A_131 : i32 to index
        %get3A_133 = tpu.vector_load %arg6[%get3A_132] {strides = array<i32>} : memref<16384xi32, #tpu.memory_space<vmem>>, vector<16xi32>,
        %add3A_134 = arith.constant 48 : i32
        %add3A_135 = arith.addi %add3A_122, %add3A_134 : i32
        %get3A_136 = arith.index_cast %add3A_135 : i32 to index
        %get3A_137 = tpu.vector_load %arg6[%get3A_136] {strides = array<i32>} : memref<16384xi32, #tpu.memory_space<vmem>>, vector<16xi32>,
        %add3A_138 = arith.constant 64 : i32
        %add3A_139 = arith.addi %add3A_122, %add3A_138 : i32
        %get3A_140 = arith.index_cast %add3A_139 : i32 to index
        %get3A_141 = tpu.vector_load %arg6[%get3A_140] {strides = array<i32>} : memref<16384xi32, #tpu.memory_space<vmem>>, vector<16xi32>,
        %add3A_142 = arith.constant 80 : i32
        %add3A_143 = arith.addi %add3A_122, %add3A_142 : i32
        %get3A_144 = arith.index_cast %add3A_143 : i32 to index
        %get3A_145 = tpu.vector_load %arg6[%get3A_144] {strides = array<i32>} : memref<16384xi32, #tpu.memory_space<vmem>>, vector<16xi32>,
        %add3A_146 = arith.constant 96 : i32
        %add3A_147 = arith.addi %add3A_122, %add3A_146 : i32
        %get3A_148 = arith.index_cast %add3A_147 : i32 to index
        %get3A_149 = tpu.vector_load %arg6[%get3A_148] {strides = array<i32>} : memref<16384xi32, #tpu.memory_space<vmem>>, vector<16xi32>,
        %add3A_150 = arith.constant 112 : i32
        %add3A_151 = arith.addi %add3A_122, %add3A_150 : i32
        %get3A_152 = arith.index_cast %add3A_151 : i32 to index
        %get3A_153 = tpu.vector_load %arg6[%get3A_152] {strides = array<i32>} : memref<16384xi32, #tpu.memory_space<vmem>>, vector<16xi32>,
        %gather3A = tpu.vector_load_idx %arg5[%get3A_125] : memref<100000xf32, #tpu.memory_space<vmem>>[vector<16xi32>], vector<16xf32>,
        %gather3A_154 = tpu.vector_load_idx %arg5[%get3A_129] : memref<100000xf32, #tpu.memory_space<vmem>>[vector<16xi32>], vector<16xf32>,
        %gather3A_155 = tpu.vector_load_idx %arg5[%get3A_133] : memref<100000xf32, #tpu.memory_space<vmem>>[vector<16xi32>], vector<16xf32>,
        %gather3A_156 = tpu.vector_load_idx %arg5[%get3A_137] : memref<100000xf32, #tpu.memory_space<vmem>>[vector<16xi32>], vector<16xf32>,
        %gather3A_157 = tpu.vector_load_idx %arg5[%get3A_141] : memref<100000xf32, #tpu.memory_space<vmem>>[vector<16xi32>], vector<16xf32>,
        %gather3A_158 = tpu.vector_load_idx %arg5[%get3A_145] : memref<100000xf32, #tpu.memory_space<vmem>>[vector<16xi32>], vector<16xf32>,
        %gather3A_159 = tpu.vector_load_idx %arg5[%get3A_149] : memref<100000xf32, #tpu.memory_space<vmem>>[vector<16xi32>], vector<16xf32>,
        %gather3A_160 = tpu.vector_load_idx %arg5[%get3A_153] : memref<100000xf32, #tpu.memory_space<vmem>>[vector<16xi32>], vector<16xf32>,
        %mul3A_161 = arith.constant 128 : i32
        %mul3A_162 = arith.muli %scan3A_118, %mul3A_161 : i32
        %add3A_163 = arith.constant 0 : i32
        %add3A_164 = arith.addi %mul3A_162, %add3A_163 : i32
        %swap3A = arith.index_cast %add3A_164 : i32 to index
        %swap3A_165 = tpu.vector_load %arg7[%swap3A] {strides = array<i32>} : memref<4096xf32, #tpu.memory_space<vmem>>, vector<16xf32>,
        tpu.vector_store %arg7[%swap3A], %gather3A {strides = array<i32>} : memref<4096xf32, #tpu.memory_space<vmem>>, vector<16xf32>,
        %mul3A_166 = arith.constant 128 : i32
        %mul3A_167 = arith.muli %scan3A_118, %mul3A_166 : i32
        %add3A_168 = arith.constant 16 : i32
        %add3A_169 = arith.addi %mul3A_167, %add3A_168 : i32
        %swap3A_170 = arith.index_cast %add3A_169 : i32 to index
        %swap3A_171 = tpu.vector_load %arg7[%swap3A_170] {strides = array<i32>} : memref<4096xf32, #tpu.memory_space<vmem>>, vector<16xf32>,
        tpu.vector_store %arg7[%swap3A_170], %gather3A_154 {strides = array<i32>} : memref<4096xf32, #tpu.memory_space<vmem>>, vector<16xf32>,
        %mul3A_172 = arith.constant 128 : i32
        %mul3A_173 = arith.muli %scan3A_118, %mul3A_172 : i32
        %add3A_174 = arith.constant 32 : i32
        %add3A_175 = arith.addi %mul3A_173, %add3A_174 : i32
        %swap3A_176 = arith.index_cast %add3A_175 : i32 to index
        %swap3A_177 = tpu.vector_load %arg7[%swap3A_176] {strides = array<i32>} : memref<4096xf32, #tpu.memory_space<vmem>>, vector<16xf32>,
        tpu.vector_store %arg7[%swap3A_176], %gather3A_155 {strides = array<i32>} : memref<4096xf32, #tpu.memory_space<vmem>>, vector<16xf32>,
        %mul3A_178 = arith.constant 128 : i32
        %mul3A_179 = arith.muli %scan3A_118, %mul3A_178 : i32
        %add3A_180 = arith.constant 48 : i32
        %add3A_181 = arith.addi %mul3A_179, %add3A_180 : i32
        %swap3A_182 = arith.index_cast %add3A_181 : i32 to index
        %swap3A_183 = tpu.vector_load %arg7[%swap3A_182] {strides = array<i32>} : memref<4096xf32, #tpu.memory_space<vmem>>, vector<16xf32>,
        tpu.vector_store %arg7[%swap3A_182], %gather3A_156 {strides = array<i32>} : memref<4096xf32, #tpu.memory_space<vmem>>, vector<16xf32>,
        %mul3A_184 = arith.constant 128 : i32
        %mul3A_185 = arith.muli %scan3A_118, %mul3A_184 : i32
        %add3A_186 = arith.constant 64 : i32
        %add3A_187 = arith.addi %mul3A_185, %add3A_186 : i32
        %swap3A_188 = arith.index_cast %add3A_187 : i32 to index
        %swap3A_189 = tpu.vector_load %arg7[%swap3A_188] {strides = array<i32>} : memref<4096xf32, #tpu.memory_space<vmem>>, vector<16xf32>,
        tpu.vector_store %arg7[%swap3A_188], %gather3A_157 {strides = array<i32>} : memref<4096xf32, #tpu.memory_space<vmem>>, vector<16xf32>,
        %mul3A_190 = arith.constant 128 : i32
        %mul3A_191 = arith.muli %scan3A_118, %mul3A_190 : i32
        %add3A_192 = arith.constant 80 : i32
        %add3A_193 = arith.addi %mul3A_191, %add3A_192 : i32
        %swap3A_194 = arith.index_cast %add3A_193 : i32 to index
        %swap3A_195 = tpu.vector_load %arg7[%swap3A_194] {strides = array<i32>} : memref<4096xf32, #tpu.memory_space<vmem>>, vector<16xf32>,
        tpu.vector_store %arg7[%swap3A_194], %gather3A_158 {strides = array<i32>} : memref<4096xf32, #tpu.memory_space<vmem>>, vector<16xf32>,
        %mul3A_196 = arith.constant 128 : i32
        %mul3A_197 = arith.muli %scan3A_118, %mul3A_196 : i32
        %add3A_198 = arith.constant 96 : i32
        %add3A_199 = arith.addi %mul3A_197, %add3A_198 : i32
        %swap3A_200 = arith.index_cast %add3A_199 : i32 to index
        %swap3A_201 = tpu.vector_load %arg7[%swap3A_200] {strides = array<i32>} : memref<4096xf32, #tpu.memory_space<vmem>>, vector<16xf32>,
        tpu.vector_store %arg7[%swap3A_200], %gather3A_159 {strides = array<i32>} : memref<4096xf32, #tpu.memory_space<vmem>>, vector<16xf32>,
        %mul3A_202 = arith.constant 128 : i32
        %mul3A_203 = arith.muli %scan3A_118, %mul3A_202 : i32
        %add3A_204 = arith.constant 112 : i32
        %add3A_205 = arith.addi %mul3A_203, %add3A_204 : i32
        %swap3A_206 = arith.index_cast %add3A_205 : i32 to index
        %swap3A_207 = tpu.vector_load %arg7[%swap3A_206] {strides = array<i32>} : memref<4096xf32, #tpu.memory_space<vmem>>, vector<16xf32>,
        tpu.vector_store %arg7[%swap3A_206], %gather3A_160 {strides = array<i32>} : memref<4096xf32, #tpu.memory_space<vmem>>, vector<16xf32>,
      }
      %scan3A_52 = arith.constant 32 : i32
      %dma_start3A_53 = arith.constant 0 : i32
      %dma_start3A_54 = tpu.memref_slice %arg4[%add3A_31, %dma_start3A_53] : memref<416x16384xf32, #tpu.memory_space<hbm>> -> memref<1x4096xf32, #tpu.memory_space<hbm>>
      %dma_start3A_55 = tpu.memref_squeeze %dma_start3A_54 : memref<1x4096xf32, #tpu.memory_space<hbm>> -> memref<4096xf32, #tpu.memory_space<hbm>>
      %dma_start3A_56 = arith.constant 0 : i32
      %dma_start3A_57 = tpu.memref_slice %arg4[%add3A_31, %dma_start3A_56] : memref<416x16384xf32, #tpu.memory_space<hbm>> -> memref<1x4096xf32, #tpu.memory_space<hbm>>
      %dma_start3A_58 = tpu.memref_squeeze %dma_start3A_57 : memref<1x4096xf32, #tpu.memory_space<hbm>> -> memref<4096xf32, #tpu.memory_space<hbm>>
      tpu.enqueue_dma source(%arg7 : memref<4096xf32, #tpu.memory_space<vmem>>) target(%dma_start3A_58 : memref<4096xf32, #tpu.memory_space<hbm>>) target_semaphore(%arg11 : memref<!tpu.dma_semaphore, #tpu.memory_space<semaphore_mem>>)
      %gt3A_59 = arith.constant 0 : i32
      %gt3A_60 = arith.cmpi sgt, %scan3A_29, %gt3A_59 : i32
      %convert_element_type3A_61 = arith.extui %gt3A_60 : i1 to i32
      %cond3A_62 = arith.constant 0 : i32
      %cond3A_63 = arith.cmpi ne, %convert_element_type3A_61, %cond3A_62 : i32
      scf.if %cond3A_63 {
        %dma_wait3A_118 = arith.constant 0 : i32
        %dma_wait3A_119 = tpu.memref_slice %arg4[%add3A_31, %dma_wait3A_118] : memref<416x16384xf32, #tpu.memory_space<hbm>> -> memref<1x4096xf32, #tpu.memory_space<hbm>>
        %dma_wait3A_120 = tpu.memref_squeeze %dma_wait3A_119 : memref<1x4096xf32, #tpu.memory_space<hbm>> -> memref<4096xf32, #tpu.memory_space<hbm>>
        %dma_wait3A_121 = arith.constant 0 : i32
        %dma_wait3A_122 = tpu.memref_slice %arg4[%add3A_31, %dma_wait3A_121] : memref<416x16384xf32, #tpu.memory_space<hbm>> -> memref<1x4096xf32, #tpu.memory_space<hbm>>
        %dma_wait3A_123 = tpu.memref_squeeze %dma_wait3A_122 : memref<1x4096xf32, #tpu.memory_space<hbm>> -> memref<4096xf32, #tpu.memory_space<hbm>>
        tpu.wait_dma2 semaphore(%arg11 : memref<!tpu.dma_semaphore, #tpu.memory_space<semaphore_mem>>) src(%arg8 : memref<4096xf32, #tpu.memory_space<vmem>>) dst(%dma_wait3A_123 : memref<4096xf32, #tpu.memory_space<hbm>>)
      } else {
      }
      %scan3A_64 = arith.constant 0 : i32
      %scan3A_65 = arith.constant 0 : i32
      %scan3A_66 = arith.constant 32 : i32
      %scan3A_67 = arith.addi %scan3A_65, %scan3A_66 : i32
      %scan3A_68 = arith.constant 1 : i32
      scf.for %scan3A_118 = %scan3A_65 to %scan3A_67 step %scan3A_68  : i32 {
        %mul3A_119 = arith.constant 128 : i32
        %mul3A_120 = arith.muli %scan3A_118, %mul3A_119 : i32
        %add3A_121 = arith.constant 4096 : i32
        %add3A_122 = arith.addi %add3A_121, %mul3A_120 : i32
        %add3A_123 = arith.constant 0 : i32
        %add3A_124 = arith.addi %add3A_122, %add3A_123 : i32
        %get3A = arith.index_cast %add3A_124 : i32 to index
        %get3A_125 = tpu.vector_load %arg6[%get3A] {strides = array<i32>} : memref<16384xi32, #tpu.memory_space<vmem>>, vector<16xi32>,
        %add3A_126 = arith.constant 16 : i32
        %add3A_127 = arith.addi %add3A_122, %add3A_126 : i32
        %get3A_128 = arith.index_cast %add3A_127 : i32 to index
        %get3A_129 = tpu.vector_load %arg6[%get3A_128] {strides = array<i32>} : memref<16384xi32, #tpu.memory_space<vmem>>, vector<16xi32>,
        %add3A_130 = arith.constant 32 : i32
        %add3A_131 = arith.addi %add3A_122, %add3A_130 : i32
        %get3A_132 = arith.index_cast %add3A_131 : i32 to index
        %get3A_133 = tpu.vector_load %arg6[%get3A_132] {strides = array<i32>} : memref<16384xi32, #tpu.memory_space<vmem>>, vector<16xi32>,
        %add3A_134 = arith.constant 48 : i32
        %add3A_135 = arith.addi %add3A_122, %add3A_134 : i32
        %get3A_136 = arith.index_cast %add3A_135 : i32 to index
        %get3A_137 = tpu.vector_load %arg6[%get3A_136] {strides = array<i32>} : memref<16384xi32, #tpu.memory_space<vmem>>, vector<16xi32>,
        %add3A_138 = arith.constant 64 : i32
        %add3A_139 = arith.addi %add3A_122, %add3A_138 : i32
        %get3A_140 = arith.index_cast %add3A_139 : i32 to index
        %get3A_141 = tpu.vector_load %arg6[%get3A_140] {strides = array<i32>} : memref<16384xi32, #tpu.memory_space<vmem>>, vector<16xi32>,
        %add3A_142 = arith.constant 80 : i32
        %add3A_143 = arith.addi %add3A_122, %add3A_142 : i32
        %get3A_144 = arith.index_cast %add3A_143 : i32 to index
        %get3A_145 = tpu.vector_load %arg6[%get3A_144] {strides = array<i32>} : memref<16384xi32, #tpu.memory_space<vmem>>, vector<16xi32>,
        %add3A_146 = arith.constant 96 : i32
        %add3A_147 = arith.addi %add3A_122, %add3A_146 : i32
        %get3A_148 = arith.index_cast %add3A_147 : i32 to index
        %get3A_149 = tpu.vector_load %arg6[%get3A_148] {strides = array<i32>} : memref<16384xi32, #tpu.memory_space<vmem>>, vector<16xi32>,
        %add3A_150 = arith.constant 112 : i32
        %add3A_151 = arith.addi %add3A_122, %add3A_150 : i32
        %get3A_152 = arith.index_cast %add3A_151 : i32 to index
        %get3A_153 = tpu.vector_load %arg6[%get3A_152] {strides = array<i32>} : memref<16384xi32, #tpu.memory_space<vmem>>, vector<16xi32>,
        %gather3A = tpu.vector_load_idx %arg5[%get3A_125] : memref<100000xf32, #tpu.memory_space<vmem>>[vector<16xi32>], vector<16xf32>,
        %gather3A_154 = tpu.vector_load_idx %arg5[%get3A_129] : memref<100000xf32, #tpu.memory_space<vmem>>[vector<16xi32>], vector<16xf32>,
        %gather3A_155 = tpu.vector_load_idx %arg5[%get3A_133] : memref<100000xf32, #tpu.memory_space<vmem>>[vector<16xi32>], vector<16xf32>,
        %gather3A_156 = tpu.vector_load_idx %arg5[%get3A_137] : memref<100000xf32, #tpu.memory_space<vmem>>[vector<16xi32>], vector<16xf32>,
        %gather3A_157 = tpu.vector_load_idx %arg5[%get3A_141] : memref<100000xf32, #tpu.memory_space<vmem>>[vector<16xi32>], vector<16xf32>,
        %gather3A_158 = tpu.vector_load_idx %arg5[%get3A_145] : memref<100000xf32, #tpu.memory_space<vmem>>[vector<16xi32>], vector<16xf32>,
        %gather3A_159 = tpu.vector_load_idx %arg5[%get3A_149] : memref<100000xf32, #tpu.memory_space<vmem>>[vector<16xi32>], vector<16xf32>,
        %gather3A_160 = tpu.vector_load_idx %arg5[%get3A_153] : memref<100000xf32, #tpu.memory_space<vmem>>[vector<16xi32>], vector<16xf32>,
        %mul3A_161 = arith.constant 128 : i32
        %mul3A_162 = arith.muli %scan3A_118, %mul3A_161 : i32
        %add3A_163 = arith.constant 0 : i32
        %add3A_164 = arith.addi %mul3A_162, %add3A_163 : i32
        %swap3A = arith.index_cast %add3A_164 : i32 to index
        %swap3A_165 = tpu.vector_load %arg8[%swap3A] {strides = array<i32>} : memref<4096xf32, #tpu.memory_space<vmem>>, vector<16xf32>,
        tpu.vector_store %arg8[%swap3A], %gather3A {strides = array<i32>} : memref<4096xf32, #tpu.memory_space<vmem>>, vector<16xf32>,
        %mul3A_166 = arith.constant 128 : i32
        %mul3A_167 = arith.muli %scan3A_118, %mul3A_166 : i32
        %add3A_168 = arith.constant 16 : i32
        %add3A_169 = arith.addi %mul3A_167, %add3A_168 : i32
        %swap3A_170 = arith.index_cast %add3A_169 : i32 to index
        %swap3A_171 = tpu.vector_load %arg8[%swap3A_170] {strides = array<i32>} : memref<4096xf32, #tpu.memory_space<vmem>>, vector<16xf32>,
        tpu.vector_store %arg8[%swap3A_170], %gather3A_154 {strides = array<i32>} : memref<4096xf32, #tpu.memory_space<vmem>>, vector<16xf32>,
        %mul3A_172 = arith.constant 128 : i32
        %mul3A_173 = arith.muli %scan3A_118, %mul3A_172 : i32
        %add3A_174 = arith.constant 32 : i32
        %add3A_175 = arith.addi %mul3A_173, %add3A_174 : i32
        %swap3A_176 = arith.index_cast %add3A_175 : i32 to index
        %swap3A_177 = tpu.vector_load %arg8[%swap3A_176] {strides = array<i32>} : memref<4096xf32, #tpu.memory_space<vmem>>, vector<16xf32>,
        tpu.vector_store %arg8[%swap3A_176], %gather3A_155 {strides = array<i32>} : memref<4096xf32, #tpu.memory_space<vmem>>, vector<16xf32>,
        %mul3A_178 = arith.constant 128 : i32
        %mul3A_179 = arith.muli %scan3A_118, %mul3A_178 : i32
        %add3A_180 = arith.constant 48 : i32
        %add3A_181 = arith.addi %mul3A_179, %add3A_180 : i32
        %swap3A_182 = arith.index_cast %add3A_181 : i32 to index
        %swap3A_183 = tpu.vector_load %arg8[%swap3A_182] {strides = array<i32>} : memref<4096xf32, #tpu.memory_space<vmem>>, vector<16xf32>,
        tpu.vector_store %arg8[%swap3A_182], %gather3A_156 {strides = array<i32>} : memref<4096xf32, #tpu.memory_space<vmem>>, vector<16xf32>,
        %mul3A_184 = arith.constant 128 : i32
        %mul3A_185 = arith.muli %scan3A_118, %mul3A_184 : i32
        %add3A_186 = arith.constant 64 : i32
        %add3A_187 = arith.addi %mul3A_185, %add3A_186 : i32
        %swap3A_188 = arith.index_cast %add3A_187 : i32 to index
        %swap3A_189 = tpu.vector_load %arg8[%swap3A_188] {strides = array<i32>} : memref<4096xf32, #tpu.memory_space<vmem>>, vector<16xf32>,
        tpu.vector_store %arg8[%swap3A_188], %gather3A_157 {strides = array<i32>} : memref<4096xf32, #tpu.memory_space<vmem>>, vector<16xf32>,
        %mul3A_190 = arith.constant 128 : i32
        %mul3A_191 = arith.muli %scan3A_118, %mul3A_190 : i32
        %add3A_192 = arith.constant 80 : i32
        %add3A_193 = arith.addi %mul3A_191, %add3A_192 : i32
        %swap3A_194 = arith.index_cast %add3A_193 : i32 to index
        %swap3A_195 = tpu.vector_load %arg8[%swap3A_194] {strides = array<i32>} : memref<4096xf32, #tpu.memory_space<vmem>>, vector<16xf32>,
        tpu.vector_store %arg8[%swap3A_194], %gather3A_158 {strides = array<i32>} : memref<4096xf32, #tpu.memory_space<vmem>>, vector<16xf32>,
        %mul3A_196 = arith.constant 128 : i32
        %mul3A_197 = arith.muli %scan3A_118, %mul3A_196 : i32
        %add3A_198 = arith.constant 96 : i32
        %add3A_199 = arith.addi %mul3A_197, %add3A_198 : i32
        %swap3A_200 = arith.index_cast %add3A_199 : i32 to index
        %swap3A_201 = tpu.vector_load %arg8[%swap3A_200] {strides = array<i32>} : memref<4096xf32, #tpu.memory_space<vmem>>, vector<16xf32>,
        tpu.vector_store %arg8[%swap3A_200], %gather3A_159 {strides = array<i32>} : memref<4096xf32, #tpu.memory_space<vmem>>, vector<16xf32>,
        %mul3A_202 = arith.constant 128 : i32
        %mul3A_203 = arith.muli %scan3A_118, %mul3A_202 : i32
        %add3A_204 = arith.constant 112 : i32
        %add3A_205 = arith.addi %mul3A_203, %add3A_204 : i32
        %swap3A_206 = arith.index_cast %add3A_205 : i32 to index
        %swap3A_207 = tpu.vector_load %arg8[%swap3A_206] {strides = array<i32>} : memref<4096xf32, #tpu.memory_space<vmem>>, vector<16xf32>,
        tpu.vector_store %arg8[%swap3A_206], %gather3A_160 {strides = array<i32>} : memref<4096xf32, #tpu.memory_space<vmem>>, vector<16xf32>,
      }
      %scan3A_69 = arith.constant 32 : i32
      %dma_start3A_70 = arith.constant 4096 : i32
      %dma_start3A_71 = tpu.memref_slice %arg4[%add3A_31, %dma_start3A_70] : memref<416x16384xf32, #tpu.memory_space<hbm>> -> memref<1x4096xf32, #tpu.memory_space<hbm>>
      %dma_start3A_72 = tpu.memref_squeeze %dma_start3A_71 : memref<1x4096xf32, #tpu.memory_space<hbm>> -> memref<4096xf32, #tpu.memory_space<hbm>>
      %dma_start3A_73 = arith.constant 4096 : i32
      %dma_start3A_74 = tpu.memref_slice %arg4[%add3A_31, %dma_start3A_73] : memref<416x16384xf32, #tpu.memory_space<hbm>> -> memref<1x4096xf32, #tpu.memory_space<hbm>>
      %dma_start3A_75 = tpu.memref_squeeze %dma_start3A_74 : memref<1x4096xf32, #tpu.memory_space<hbm>> -> memref<4096xf32, #tpu.memory_space<hbm>>
      tpu.enqueue_dma source(%arg8 : memref<4096xf32, #tpu.memory_space<vmem>>) target(%dma_start3A_75 : memref<4096xf32, #tpu.memory_space<hbm>>) target_semaphore(%arg11 : memref<!tpu.dma_semaphore, #tpu.memory_space<semaphore_mem>>)
      %dma_wait3A_76 = arith.constant 0 : i32
      %dma_wait3A_77 = tpu.memref_slice %arg4[%add3A_31, %dma_wait3A_76] : memref<416x16384xf32, #tpu.memory_space<hbm>> -> memref<1x4096xf32, #tpu.memory_space<hbm>>
      %dma_wait3A_78 = tpu.memref_squeeze %dma_wait3A_77 : memref<1x4096xf32, #tpu.memory_space<hbm>> -> memref<4096xf32, #tpu.memory_space<hbm>>
      %dma_wait3A_79 = arith.constant 0 : i32
      %dma_wait3A_80 = tpu.memref_slice %arg4[%add3A_31, %dma_wait3A_79] : memref<416x16384xf32, #tpu.memory_space<hbm>> -> memref<1x4096xf32, #tpu.memory_space<hbm>>
      %dma_wait3A_81 = tpu.memref_squeeze %dma_wait3A_80 : memref<1x4096xf32, #tpu.memory_space<hbm>> -> memref<4096xf32, #tpu.memory_space<hbm>>
      tpu.wait_dma2 semaphore(%arg11 : memref<!tpu.dma_semaphore, #tpu.memory_space<semaphore_mem>>) src(%arg7 : memref<4096xf32, #tpu.memory_space<vmem>>) dst(%dma_wait3A_81 : memref<4096xf32, #tpu.memory_space<hbm>>)
      %scan3A_82 = arith.constant 0 : i32
      %scan3A_83 = arith.constant 0 : i32
      %scan3A_84 = arith.constant 32 : i32
      %scan3A_85 = arith.addi %scan3A_83, %scan3A_84 : i32
      %scan3A_86 = arith.constant 1 : i32
      scf.for %scan3A_118 = %scan3A_83 to %scan3A_85 step %scan3A_86  : i32 {
        %mul3A_119 = arith.constant 128 : i32
        %mul3A_120 = arith.muli %scan3A_118, %mul3A_119 : i32
        %add3A_121 = arith.constant 8192 : i32
        %add3A_122 = arith.addi %add3A_121, %mul3A_120 : i32
        %add3A_123 = arith.constant 0 : i32
        %add3A_124 = arith.addi %add3A_122, %add3A_123 : i32
        %get3A = arith.index_cast %add3A_124 : i32 to index
        %get3A_125 = tpu.vector_load %arg6[%get3A] {strides = array<i32>} : memref<16384xi32, #tpu.memory_space<vmem>>, vector<16xi32>,
        %add3A_126 = arith.constant 16 : i32
        %add3A_127 = arith.addi %add3A_122, %add3A_126 : i32
        %get3A_128 = arith.index_cast %add3A_127 : i32 to index
        %get3A_129 = tpu.vector_load %arg6[%get3A_128] {strides = array<i32>} : memref<16384xi32, #tpu.memory_space<vmem>>, vector<16xi32>,
        %add3A_130 = arith.constant 32 : i32
        %add3A_131 = arith.addi %add3A_122, %add3A_130 : i32
        %get3A_132 = arith.index_cast %add3A_131 : i32 to index
        %get3A_133 = tpu.vector_load %arg6[%get3A_132] {strides = array<i32>} : memref<16384xi32, #tpu.memory_space<vmem>>, vector<16xi32>,
        %add3A_134 = arith.constant 48 : i32
        %add3A_135 = arith.addi %add3A_122, %add3A_134 : i32
        %get3A_136 = arith.index_cast %add3A_135 : i32 to index
        %get3A_137 = tpu.vector_load %arg6[%get3A_136] {strides = array<i32>} : memref<16384xi32, #tpu.memory_space<vmem>>, vector<16xi32>,
        %add3A_138 = arith.constant 64 : i32
        %add3A_139 = arith.addi %add3A_122, %add3A_138 : i32
        %get3A_140 = arith.index_cast %add3A_139 : i32 to index
        %get3A_141 = tpu.vector_load %arg6[%get3A_140] {strides = array<i32>} : memref<16384xi32, #tpu.memory_space<vmem>>, vector<16xi32>,
        %add3A_142 = arith.constant 80 : i32
        %add3A_143 = arith.addi %add3A_122, %add3A_142 : i32
        %get3A_144 = arith.index_cast %add3A_143 : i32 to index
        %get3A_145 = tpu.vector_load %arg6[%get3A_144] {strides = array<i32>} : memref<16384xi32, #tpu.memory_space<vmem>>, vector<16xi32>,
        %add3A_146 = arith.constant 96 : i32
        %add3A_147 = arith.addi %add3A_122, %add3A_146 : i32
        %get3A_148 = arith.index_cast %add3A_147 : i32 to index
        %get3A_149 = tpu.vector_load %arg6[%get3A_148] {strides = array<i32>} : memref<16384xi32, #tpu.memory_space<vmem>>, vector<16xi32>,
        %add3A_150 = arith.constant 112 : i32
        %add3A_151 = arith.addi %add3A_122, %add3A_150 : i32
        %get3A_152 = arith.index_cast %add3A_151 : i32 to index
        %get3A_153 = tpu.vector_load %arg6[%get3A_152] {strides = array<i32>} : memref<16384xi32, #tpu.memory_space<vmem>>, vector<16xi32>,
        %gather3A = tpu.vector_load_idx %arg5[%get3A_125] : memref<100000xf32, #tpu.memory_space<vmem>>[vector<16xi32>], vector<16xf32>,
        %gather3A_154 = tpu.vector_load_idx %arg5[%get3A_129] : memref<100000xf32, #tpu.memory_space<vmem>>[vector<16xi32>], vector<16xf32>,
        %gather3A_155 = tpu.vector_load_idx %arg5[%get3A_133] : memref<100000xf32, #tpu.memory_space<vmem>>[vector<16xi32>], vector<16xf32>,
        %gather3A_156 = tpu.vector_load_idx %arg5[%get3A_137] : memref<100000xf32, #tpu.memory_space<vmem>>[vector<16xi32>], vector<16xf32>,
        %gather3A_157 = tpu.vector_load_idx %arg5[%get3A_141] : memref<100000xf32, #tpu.memory_space<vmem>>[vector<16xi32>], vector<16xf32>,
        %gather3A_158 = tpu.vector_load_idx %arg5[%get3A_145] : memref<100000xf32, #tpu.memory_space<vmem>>[vector<16xi32>], vector<16xf32>,
        %gather3A_159 = tpu.vector_load_idx %arg5[%get3A_149] : memref<100000xf32, #tpu.memory_space<vmem>>[vector<16xi32>], vector<16xf32>,
        %gather3A_160 = tpu.vector_load_idx %arg5[%get3A_153] : memref<100000xf32, #tpu.memory_space<vmem>>[vector<16xi32>], vector<16xf32>,
        %mul3A_161 = arith.constant 128 : i32
        %mul3A_162 = arith.muli %scan3A_118, %mul3A_161 : i32
        %add3A_163 = arith.constant 0 : i32
        %add3A_164 = arith.addi %mul3A_162, %add3A_163 : i32
        %swap3A = arith.index_cast %add3A_164 : i32 to index
        %swap3A_165 = tpu.vector_load %arg7[%swap3A] {strides = array<i32>} : memref<4096xf32, #tpu.memory_space<vmem>>, vector<16xf32>,
        tpu.vector_store %arg7[%swap3A], %gather3A {strides = array<i32>} : memref<4096xf32, #tpu.memory_space<vmem>>, vector<16xf32>,
        %mul3A_166 = arith.constant 128 : i32
        %mul3A_167 = arith.muli %scan3A_118, %mul3A_166 : i32
        %add3A_168 = arith.constant 16 : i32
        %add3A_169 = arith.addi %mul3A_167, %add3A_168 : i32
        %swap3A_170 = arith.index_cast %add3A_169 : i32 to index
        %swap3A_171 = tpu.vector_load %arg7[%swap3A_170] {strides = array<i32>} : memref<4096xf32, #tpu.memory_space<vmem>>, vector<16xf32>,
        tpu.vector_store %arg7[%swap3A_170], %gather3A_154 {strides = array<i32>} : memref<4096xf32, #tpu.memory_space<vmem>>, vector<16xf32>,
        %mul3A_172 = arith.constant 128 : i32
        %mul3A_173 = arith.muli %scan3A_118, %mul3A_172 : i32
        %add3A_174 = arith.constant 32 : i32
        %add3A_175 = arith.addi %mul3A_173, %add3A_174 : i32
        %swap3A_176 = arith.index_cast %add3A_175 : i32 to index
        %swap3A_177 = tpu.vector_load %arg7[%swap3A_176] {strides = array<i32>} : memref<4096xf32, #tpu.memory_space<vmem>>, vector<16xf32>,
        tpu.vector_store %arg7[%swap3A_176], %gather3A_155 {strides = array<i32>} : memref<4096xf32, #tpu.memory_space<vmem>>, vector<16xf32>,
        %mul3A_178 = arith.constant 128 : i32
        %mul3A_179 = arith.muli %scan3A_118, %mul3A_178 : i32
        %add3A_180 = arith.constant 48 : i32
        %add3A_181 = arith.addi %mul3A_179, %add3A_180 : i32
        %swap3A_182 = arith.index_cast %add3A_181 : i32 to index
        %swap3A_183 = tpu.vector_load %arg7[%swap3A_182] {strides = array<i32>} : memref<4096xf32, #tpu.memory_space<vmem>>, vector<16xf32>,
        tpu.vector_store %arg7[%swap3A_182], %gather3A_156 {strides = array<i32>} : memref<4096xf32, #tpu.memory_space<vmem>>, vector<16xf32>,
        %mul3A_184 = arith.constant 128 : i32
        %mul3A_185 = arith.muli %scan3A_118, %mul3A_184 : i32
        %add3A_186 = arith.constant 64 : i32
        %add3A_187 = arith.addi %mul3A_185, %add3A_186 : i32
        %swap3A_188 = arith.index_cast %add3A_187 : i32 to index
        %swap3A_189 = tpu.vector_load %arg7[%swap3A_188] {strides = array<i32>} : memref<4096xf32, #tpu.memory_space<vmem>>, vector<16xf32>,
        tpu.vector_store %arg7[%swap3A_188], %gather3A_157 {strides = array<i32>} : memref<4096xf32, #tpu.memory_space<vmem>>, vector<16xf32>,
        %mul3A_190 = arith.constant 128 : i32
        %mul3A_191 = arith.muli %scan3A_118, %mul3A_190 : i32
        %add3A_192 = arith.constant 80 : i32
        %add3A_193 = arith.addi %mul3A_191, %add3A_192 : i32
        %swap3A_194 = arith.index_cast %add3A_193 : i32 to index
        %swap3A_195 = tpu.vector_load %arg7[%swap3A_194] {strides = array<i32>} : memref<4096xf32, #tpu.memory_space<vmem>>, vector<16xf32>,
        tpu.vector_store %arg7[%swap3A_194], %gather3A_158 {strides = array<i32>} : memref<4096xf32, #tpu.memory_space<vmem>>, vector<16xf32>,
        %mul3A_196 = arith.constant 128 : i32
        %mul3A_197 = arith.muli %scan3A_118, %mul3A_196 : i32
        %add3A_198 = arith.constant 96 : i32
        %add3A_199 = arith.addi %mul3A_197, %add3A_198 : i32
        %swap3A_200 = arith.index_cast %add3A_199 : i32 to index
        %swap3A_201 = tpu.vector_load %arg7[%swap3A_200] {strides = array<i32>} : memref<4096xf32, #tpu.memory_space<vmem>>, vector<16xf32>,
        tpu.vector_store %arg7[%swap3A_200], %gather3A_159 {strides = array<i32>} : memref<4096xf32, #tpu.memory_space<vmem>>, vector<16xf32>,
        %mul3A_202 = arith.constant 128 : i32
        %mul3A_203 = arith.muli %scan3A_118, %mul3A_202 : i32
        %add3A_204 = arith.constant 112 : i32
        %add3A_205 = arith.addi %mul3A_203, %add3A_204 : i32
        %swap3A_206 = arith.index_cast %add3A_205 : i32 to index
        %swap3A_207 = tpu.vector_load %arg7[%swap3A_206] {strides = array<i32>} : memref<4096xf32, #tpu.memory_space<vmem>>, vector<16xf32>,
        tpu.vector_store %arg7[%swap3A_206], %gather3A_160 {strides = array<i32>} : memref<4096xf32, #tpu.memory_space<vmem>>, vector<16xf32>,
      }
      %scan3A_87 = arith.constant 32 : i32
      %dma_start3A_88 = arith.constant 8192 : i32
      %dma_start3A_89 = tpu.memref_slice %arg4[%add3A_31, %dma_start3A_88] : memref<416x16384xf32, #tpu.memory_space<hbm>> -> memref<1x4096xf32, #tpu.memory_space<hbm>>
      %dma_start3A_90 = tpu.memref_squeeze %dma_start3A_89 : memref<1x4096xf32, #tpu.memory_space<hbm>> -> memref<4096xf32, #tpu.memory_space<hbm>>
      %dma_start3A_91 = arith.constant 8192 : i32
      %dma_start3A_92 = tpu.memref_slice %arg4[%add3A_31, %dma_start3A_91] : memref<416x16384xf32, #tpu.memory_space<hbm>> -> memref<1x4096xf32, #tpu.memory_space<hbm>>
      %dma_start3A_93 = tpu.memref_squeeze %dma_start3A_92 : memref<1x4096xf32, #tpu.memory_space<hbm>> -> memref<4096xf32, #tpu.memory_space<hbm>>
      tpu.enqueue_dma source(%arg7 : memref<4096xf32, #tpu.memory_space<vmem>>) target(%dma_start3A_93 : memref<4096xf32, #tpu.memory_space<hbm>>) target_semaphore(%arg11 : memref<!tpu.dma_semaphore, #tpu.memory_space<semaphore_mem>>)
      %dma_wait3A_94 = arith.constant 0 : i32
      %dma_wait3A_95 = tpu.memref_slice %arg4[%add3A_31, %dma_wait3A_94] : memref<416x16384xf32, #tpu.memory_space<hbm>> -> memref<1x4096xf32, #tpu.memory_space<hbm>>
      %dma_wait3A_96 = tpu.memref_squeeze %dma_wait3A_95 : memref<1x4096xf32, #tpu.memory_space<hbm>> -> memref<4096xf32, #tpu.memory_space<hbm>>
      %dma_wait3A_97 = arith.constant 0 : i32
      %dma_wait3A_98 = tpu.memref_slice %arg4[%add3A_31, %dma_wait3A_97] : memref<416x16384xf32, #tpu.memory_space<hbm>> -> memref<1x4096xf32, #tpu.memory_space<hbm>>
      %dma_wait3A_99 = tpu.memref_squeeze %dma_wait3A_98 : memref<1x4096xf32, #tpu.memory_space<hbm>> -> memref<4096xf32, #tpu.memory_space<hbm>>
      tpu.wait_dma2 semaphore(%arg11 : memref<!tpu.dma_semaphore, #tpu.memory_space<semaphore_mem>>) src(%arg8 : memref<4096xf32, #tpu.memory_space<vmem>>) dst(%dma_wait3A_99 : memref<4096xf32, #tpu.memory_space<hbm>>)
      %scan3A_100 = arith.constant 0 : i32
      %scan3A_101 = arith.constant 0 : i32
      %scan3A_102 = arith.constant 32 : i32
      %scan3A_103 = arith.addi %scan3A_101, %scan3A_102 : i32
      %scan3A_104 = arith.constant 1 : i32
      scf.for %scan3A_118 = %scan3A_101 to %scan3A_103 step %scan3A_104  : i32 {
        %mul3A_119 = arith.constant 128 : i32
        %mul3A_120 = arith.muli %scan3A_118, %mul3A_119 : i32
        %add3A_121 = arith.constant 12288 : i32
        %add3A_122 = arith.addi %add3A_121, %mul3A_120 : i32
        %add3A_123 = arith.constant 0 : i32
        %add3A_124 = arith.addi %add3A_122, %add3A_123 : i32
        %get3A = arith.index_cast %add3A_124 : i32 to index
        %get3A_125 = tpu.vector_load %arg6[%get3A] {strides = array<i32>} : memref<16384xi32, #tpu.memory_space<vmem>>, vector<16xi32>,
        %add3A_126 = arith.constant 16 : i32
        %add3A_127 = arith.addi %add3A_122, %add3A_126 : i32
        %get3A_128 = arith.index_cast %add3A_127 : i32 to index
        %get3A_129 = tpu.vector_load %arg6[%get3A_128] {strides = array<i32>} : memref<16384xi32, #tpu.memory_space<vmem>>, vector<16xi32>,
        %add3A_130 = arith.constant 32 : i32
        %add3A_131 = arith.addi %add3A_122, %add3A_130 : i32
        %get3A_132 = arith.index_cast %add3A_131 : i32 to index
        %get3A_133 = tpu.vector_load %arg6[%get3A_132] {strides = array<i32>} : memref<16384xi32, #tpu.memory_space<vmem>>, vector<16xi32>,
        %add3A_134 = arith.constant 48 : i32
        %add3A_135 = arith.addi %add3A_122, %add3A_134 : i32
        %get3A_136 = arith.index_cast %add3A_135 : i32 to index
        %get3A_137 = tpu.vector_load %arg6[%get3A_136] {strides = array<i32>} : memref<16384xi32, #tpu.memory_space<vmem>>, vector<16xi32>,
        %add3A_138 = arith.constant 64 : i32
        %add3A_139 = arith.addi %add3A_122, %add3A_138 : i32
        %get3A_140 = arith.index_cast %add3A_139 : i32 to index
        %get3A_141 = tpu.vector_load %arg6[%get3A_140] {strides = array<i32>} : memref<16384xi32, #tpu.memory_space<vmem>>, vector<16xi32>,
        %add3A_142 = arith.constant 80 : i32
        %add3A_143 = arith.addi %add3A_122, %add3A_142 : i32
        %get3A_144 = arith.index_cast %add3A_143 : i32 to index
        %get3A_145 = tpu.vector_load %arg6[%get3A_144] {strides = array<i32>} : memref<16384xi32, #tpu.memory_space<vmem>>, vector<16xi32>,
        %add3A_146 = arith.constant 96 : i32
        %add3A_147 = arith.addi %add3A_122, %add3A_146 : i32
        %get3A_148 = arith.index_cast %add3A_147 : i32 to index
        %get3A_149 = tpu.vector_load %arg6[%get3A_148] {strides = array<i32>} : memref<16384xi32, #tpu.memory_space<vmem>>, vector<16xi32>,
        %add3A_150 = arith.constant 112 : i32
        %add3A_151 = arith.addi %add3A_122, %add3A_150 : i32
        %get3A_152 = arith.index_cast %add3A_151 : i32 to index
        %get3A_153 = tpu.vector_load %arg6[%get3A_152] {strides = array<i32>} : memref<16384xi32, #tpu.memory_space<vmem>>, vector<16xi32>,
        %gather3A = tpu.vector_load_idx %arg5[%get3A_125] : memref<100000xf32, #tpu.memory_space<vmem>>[vector<16xi32>], vector<16xf32>,
        %gather3A_154 = tpu.vector_load_idx %arg5[%get3A_129] : memref<100000xf32, #tpu.memory_space<vmem>>[vector<16xi32>], vector<16xf32>,
        %gather3A_155 = tpu.vector_load_idx %arg5[%get3A_133] : memref<100000xf32, #tpu.memory_space<vmem>>[vector<16xi32>], vector<16xf32>,
        %gather3A_156 = tpu.vector_load_idx %arg5[%get3A_137] : memref<100000xf32, #tpu.memory_space<vmem>>[vector<16xi32>], vector<16xf32>,
        %gather3A_157 = tpu.vector_load_idx %arg5[%get3A_141] : memref<100000xf32, #tpu.memory_space<vmem>>[vector<16xi32>], vector<16xf32>,
        %gather3A_158 = tpu.vector_load_idx %arg5[%get3A_145] : memref<100000xf32, #tpu.memory_space<vmem>>[vector<16xi32>], vector<16xf32>,
        %gather3A_159 = tpu.vector_load_idx %arg5[%get3A_149] : memref<100000xf32, #tpu.memory_space<vmem>>[vector<16xi32>], vector<16xf32>,
        %gather3A_160 = tpu.vector_load_idx %arg5[%get3A_153] : memref<100000xf32, #tpu.memory_space<vmem>>[vector<16xi32>], vector<16xf32>,
        %mul3A_161 = arith.constant 128 : i32
        %mul3A_162 = arith.muli %scan3A_118, %mul3A_161 : i32
        %add3A_163 = arith.constant 0 : i32
        %add3A_164 = arith.addi %mul3A_162, %add3A_163 : i32
        %swap3A = arith.index_cast %add3A_164 : i32 to index
        %swap3A_165 = tpu.vector_load %arg8[%swap3A] {strides = array<i32>} : memref<4096xf32, #tpu.memory_space<vmem>>, vector<16xf32>,
        tpu.vector_store %arg8[%swap3A], %gather3A {strides = array<i32>} : memref<4096xf32, #tpu.memory_space<vmem>>, vector<16xf32>,
        %mul3A_166 = arith.constant 128 : i32
        %mul3A_167 = arith.muli %scan3A_118, %mul3A_166 : i32
        %add3A_168 = arith.constant 16 : i32
        %add3A_169 = arith.addi %mul3A_167, %add3A_168 : i32
        %swap3A_170 = arith.index_cast %add3A_169 : i32 to index
        %swap3A_171 = tpu.vector_load %arg8[%swap3A_170] {strides = array<i32>} : memref<4096xf32, #tpu.memory_space<vmem>>, vector<16xf32>,
        tpu.vector_store %arg8[%swap3A_170], %gather3A_154 {strides = array<i32>} : memref<4096xf32, #tpu.memory_space<vmem>>, vector<16xf32>,
        %mul3A_172 = arith.constant 128 : i32
        %mul3A_173 = arith.muli %scan3A_118, %mul3A_172 : i32
        %add3A_174 = arith.constant 32 : i32
        %add3A_175 = arith.addi %mul3A_173, %add3A_174 : i32
        %swap3A_176 = arith.index_cast %add3A_175 : i32 to index
        %swap3A_177 = tpu.vector_load %arg8[%swap3A_176] {strides = array<i32>} : memref<4096xf32, #tpu.memory_space<vmem>>, vector<16xf32>,
        tpu.vector_store %arg8[%swap3A_176], %gather3A_155 {strides = array<i32>} : memref<4096xf32, #tpu.memory_space<vmem>>, vector<16xf32>,
        %mul3A_178 = arith.constant 128 : i32
        %mul3A_179 = arith.muli %scan3A_118, %mul3A_178 : i32
        %add3A_180 = arith.constant 48 : i32
        %add3A_181 = arith.addi %mul3A_179, %add3A_180 : i32
        %swap3A_182 = arith.index_cast %add3A_181 : i32 to index
        %swap3A_183 = tpu.vector_load %arg8[%swap3A_182] {strides = array<i32>} : memref<4096xf32, #tpu.memory_space<vmem>>, vector<16xf32>,
        tpu.vector_store %arg8[%swap3A_182], %gather3A_156 {strides = array<i32>} : memref<4096xf32, #tpu.memory_space<vmem>>, vector<16xf32>,
        %mul3A_184 = arith.constant 128 : i32
        %mul3A_185 = arith.muli %scan3A_118, %mul3A_184 : i32
        %add3A_186 = arith.constant 64 : i32
        %add3A_187 = arith.addi %mul3A_185, %add3A_186 : i32
        %swap3A_188 = arith.index_cast %add3A_187 : i32 to index
        %swap3A_189 = tpu.vector_load %arg8[%swap3A_188] {strides = array<i32>} : memref<4096xf32, #tpu.memory_space<vmem>>, vector<16xf32>,
        tpu.vector_store %arg8[%swap3A_188], %gather3A_157 {strides = array<i32>} : memref<4096xf32, #tpu.memory_space<vmem>>, vector<16xf32>,
        %mul3A_190 = arith.constant 128 : i32
        %mul3A_191 = arith.muli %scan3A_118, %mul3A_190 : i32
        %add3A_192 = arith.constant 80 : i32
        %add3A_193 = arith.addi %mul3A_191, %add3A_192 : i32
        %swap3A_194 = arith.index_cast %add3A_193 : i32 to index
        %swap3A_195 = tpu.vector_load %arg8[%swap3A_194] {strides = array<i32>} : memref<4096xf32, #tpu.memory_space<vmem>>, vector<16xf32>,
        tpu.vector_store %arg8[%swap3A_194], %gather3A_158 {strides = array<i32>} : memref<4096xf32, #tpu.memory_space<vmem>>, vector<16xf32>,
        %mul3A_196 = arith.constant 128 : i32
        %mul3A_197 = arith.muli %scan3A_118, %mul3A_196 : i32
        %add3A_198 = arith.constant 96 : i32
        %add3A_199 = arith.addi %mul3A_197, %add3A_198 : i32
        %swap3A_200 = arith.index_cast %add3A_199 : i32 to index
        %swap3A_201 = tpu.vector_load %arg8[%swap3A_200] {strides = array<i32>} : memref<4096xf32, #tpu.memory_space<vmem>>, vector<16xf32>,
        tpu.vector_store %arg8[%swap3A_200], %gather3A_159 {strides = array<i32>} : memref<4096xf32, #tpu.memory_space<vmem>>, vector<16xf32>,
        %mul3A_202 = arith.constant 128 : i32
        %mul3A_203 = arith.muli %scan3A_118, %mul3A_202 : i32
        %add3A_204 = arith.constant 112 : i32
        %add3A_205 = arith.addi %mul3A_203, %add3A_204 : i32
        %swap3A_206 = arith.index_cast %add3A_205 : i32 to index
        %swap3A_207 = tpu.vector_load %arg8[%swap3A_206] {strides = array<i32>} : memref<4096xf32, #tpu.memory_space<vmem>>, vector<16xf32>,
        tpu.vector_store %arg8[%swap3A_206], %gather3A_160 {strides = array<i32>} : memref<4096xf32, #tpu.memory_space<vmem>>, vector<16xf32>,
      }
      %scan3A_105 = arith.constant 32 : i32
      %dma_start3A_106 = arith.constant 12288 : i32
      %dma_start3A_107 = tpu.memref_slice %arg4[%add3A_31, %dma_start3A_106] : memref<416x16384xf32, #tpu.memory_space<hbm>> -> memref<1x4096xf32, #tpu.memory_space<hbm>>
      %dma_start3A_108 = tpu.memref_squeeze %dma_start3A_107 : memref<1x4096xf32, #tpu.memory_space<hbm>> -> memref<4096xf32, #tpu.memory_space<hbm>>
      %dma_start3A_109 = arith.constant 12288 : i32
      %dma_start3A_110 = tpu.memref_slice %arg4[%add3A_31, %dma_start3A_109] : memref<416x16384xf32, #tpu.memory_space<hbm>> -> memref<1x4096xf32, #tpu.memory_space<hbm>>
      %dma_start3A_111 = tpu.memref_squeeze %dma_start3A_110 : memref<1x4096xf32, #tpu.memory_space<hbm>> -> memref<4096xf32, #tpu.memory_space<hbm>>
      tpu.enqueue_dma source(%arg8 : memref<4096xf32, #tpu.memory_space<vmem>>) target(%dma_start3A_111 : memref<4096xf32, #tpu.memory_space<hbm>>) target_semaphore(%arg11 : memref<!tpu.dma_semaphore, #tpu.memory_space<semaphore_mem>>)
      %add3A_112 = arith.constant 1 : i32
      %add3A_113 = arith.addi %scan3A_29, %add3A_112 : i32
      %lt3A = arith.constant 13 : i32
      %lt3A_114 = arith.cmpi slt, %add3A_113, %lt3A : i32
      %convert_element_type3A_115 = arith.extui %lt3A_114 : i1 to i32
      %cond3A_116 = arith.constant 0 : i32
      %cond3A_117 = arith.cmpi ne, %convert_element_type3A_115, %cond3A_116 : i32
      scf.if %cond3A_117 {
        %add3A_118 = arith.constant 1 : i32
        %add3A_119 = arith.addi %add3A_31, %add3A_118 : i32
        %shift_right_logical3A_120 = arith.constant 4 : i32
        %shift_right_logical3A_121 = arith.shrui %add3A_119, %shift_right_logical3A_120 : i32
        %and3A_122 = arith.constant 15 : i32
        %and3A_123 = arith.andi %add3A_119, %and3A_122 : i32
        %dma_start3A_124 = arith.constant 0 : i32
        %dma_start3A_125 = tpu.memref_slice %arg2[%shift_right_logical3A_121, %and3A_123, %dma_start3A_124] : memref<26x16x100000xf32, #tpu.memory_space<hbm>> -> memref<1x1x100000xf32, #tpu.memory_space<hbm>>
        %dma_start3A_126 = tpu.memref_squeeze %dma_start3A_125 : memref<1x1x100000xf32, #tpu.memory_space<hbm>> -> memref<100000xf32, #tpu.memory_space<hbm>>
        %dma_start3A_127 = arith.constant 0 : i32
        %dma_start3A_128 = tpu.memref_slice %arg2[%shift_right_logical3A_121, %and3A_123, %dma_start3A_127] : memref<26x16x100000xf32, #tpu.memory_space<hbm>> -> memref<1x1x100000xf32, #tpu.memory_space<hbm>>
        %dma_start3A_129 = tpu.memref_squeeze %dma_start3A_128 : memref<1x1x100000xf32, #tpu.memory_space<hbm>> -> memref<100000xf32, #tpu.memory_space<hbm>>
        tpu.enqueue_dma source(%dma_start3A_129 : memref<100000xf32, #tpu.memory_space<hbm>>) target(%arg5 : memref<100000xf32, #tpu.memory_space<vmem>>) target_semaphore(%arg9 : memref<!tpu.dma_semaphore, #tpu.memory_space<semaphore_mem>>)
      } else {
      }
      scf.yield %shift_right_logical3A_33 : i32
    }
    %scan3A_15 = arith.constant 13 : i32
    %dma_wait3A = arith.constant 0 : i32
    %dma_wait3A_16 = arith.constant 0 : i32
    %dma_wait3A_17 = tpu.memref_slice %arg4[%dma_wait3A, %dma_wait3A_16] : memref<416x16384xf32, #tpu.memory_space<hbm>> -> memref<1x4096xf32, #tpu.memory_space<hbm>>
    %dma_wait3A_18 = tpu.memref_squeeze %dma_wait3A_17 : memref<1x4096xf32, #tpu.memory_space<hbm>> -> memref<4096xf32, #tpu.memory_space<hbm>>
    %dma_wait3A_19 = arith.constant 0 : i32
    %dma_wait3A_20 = tpu.memref_slice %arg4[%dma_wait3A, %dma_wait3A_19] : memref<416x16384xf32, #tpu.memory_space<hbm>> -> memref<1x4096xf32, #tpu.memory_space<hbm>>
    %dma_wait3A_21 = tpu.memref_squeeze %dma_wait3A_20 : memref<1x4096xf32, #tpu.memory_space<hbm>> -> memref<4096xf32, #tpu.memory_space<hbm>>
    tpu.wait_dma2 semaphore(%arg11 : memref<!tpu.dma_semaphore, #tpu.memory_space<semaphore_mem>>) src(%arg7 : memref<4096xf32, #tpu.memory_space<vmem>>) dst(%dma_wait3A_21 : memref<4096xf32, #tpu.memory_space<hbm>>)
    %dma_wait3A_22 = arith.constant 0 : i32
    %dma_wait3A_23 = arith.constant 0 : i32
    %dma_wait3A_24 = tpu.memref_slice %arg4[%dma_wait3A_22, %dma_wait3A_23] : memref<416x16384xf32, #tpu.memory_space<hbm>> -> memref<1x4096xf32, #tpu.memory_space<hbm>>
    %dma_wait3A_25 = tpu.memref_squeeze %dma_wait3A_24 : memref<1x4096xf32, #tpu.memory_space<hbm>> -> memref<4096xf32, #tpu.memory_space<hbm>>
    %dma_wait3A_26 = arith.constant 0 : i32
    %dma_wait3A_27 = tpu.memref_slice %arg4[%dma_wait3A_22, %dma_wait3A_26] : memref<416x16384xf32, #tpu.memory_space<hbm>> -> memref<1x4096xf32, #tpu.memory_space<hbm>>
    %dma_wait3A_28 = tpu.memref_squeeze %dma_wait3A_27 : memref<1x4096xf32, #tpu.memory_space<hbm>> -> memref<4096xf32, #tpu.memory_space<hbm>>
    tpu.wait_dma2 semaphore(%arg11 : memref<!tpu.dma_semaphore, #tpu.memory_space<semaphore_mem>>) src(%arg8 : memref<4096xf32, #tpu.memory_space<vmem>>) dst(%dma_wait3A_28 : memref<4096xf32, #tpu.memory_space<hbm>>)
    return
  }
}

module attributes {stable_mosaic.version = 14 : i64} {
  func.func @body(%arg0: i32, %arg1: memref<32x416xf32, #tpu.memory_space<vmem>>, %arg2: memref<416x4096xf32, #tpu.memory_space<vmem>>, %arg3: memref<32x1xf32, #tpu.memory_space<vmem>>, %arg4: memref<32x4096xf32, #tpu.memory_space<vmem>>) attributes {dimension_semantics = [#tpu.dimension_semantics<arbitrary>], iteration_bounds = array<i64: 4>, scalar_prefetch = 0 : i64, scratch_operands = 0 : i64, tpu.core_type = #tpu.core_type<tc>, window_params = [{pipeline_mode = #tpu.pipeline_mode<synchronous>, transform_indices = @transform_0, window_bounds = array<i64: 32, 416>}, {transform_indices = @transform_1, window_bounds = array<i64: 416, 4096>}, {pipeline_mode = #tpu.pipeline_mode<synchronous>, transform_indices = @transform_2, window_bounds = array<i64: 32, 1>}, {transform_indices = @transform_3, window_bounds = array<i64: 32, 4096>}]} {
    %get3A = arith.constant 0 : index
    %get3A_0 = arith.constant 0 : index
    %get3A_1 = vector.load %arg1[%get3A, %get3A_0] : memref<32x416xf32, #tpu.memory_space<vmem>>, vector<32x416xf32>
    %get3A_2 = arith.constant 0 : index
    %get3A_3 = arith.constant 0 : index
    %get3A_4 = vector.load %arg2[%get3A_2, %get3A_3] : memref<416x4096xf32, #tpu.memory_space<vmem>>, vector<416x4096xf32>
    %dot_general3A = arith.constant dense<0.000000e+00> : vector<32x4096xf32>
    %dot_general3A_5 = tpu.matmul %get3A_1, %get3A_4, %dot_general3A {dimension_numbers = #tpu.dot_dimension_numbers<[1], [0], [0], [1], [0, 0, 1, 1], [], []>, transpose_lhs_hint = false} : vector<32x416xf32>, vector<416x4096xf32>, vector<32x4096xf32> -> vector<32x4096xf32>
    %get3A_6 = arith.constant 0 : index
    %get3A_7 = arith.constant 0 : index
    %get3A_8 = vector.load %arg3[%get3A_6, %get3A_7] : memref<32x1xf32, #tpu.memory_space<vmem>>, vector<32x1xf32>
    %add3A = vector.broadcast %get3A_8 : vector<32x1xf32> to vector<32x4096xf32>
    %add3A_9 = arith.addf %dot_general3A_5, %add3A : vector<32x4096xf32>
    %swap3A = arith.constant 0 : index
    %swap3A_10 = arith.constant 0 : index
    %swap3A_11 = vector.load %arg4[%swap3A, %swap3A_10] : memref<32x4096xf32, #tpu.memory_space<vmem>>, vector<32x4096xf32>
    tpu.vector_store %arg4[%swap3A, %swap3A_10], %add3A_9 {strides = array<i32>} : memref<32x4096xf32, #tpu.memory_space<vmem>>, vector<32x4096xf32>,
    return
  }
  func.func @transform_0(%arg0: i32) -> (i32, i32) {
    %c0_i32 = arith.constant 0 : i32
    %c0_i32_0 = arith.constant 0 : i32
    %c0_i32_1 = arith.constant 0 : i32
    return %c0_i32, %c0_i32_0 : i32, i32
  }
  func.func @transform_1(%arg0: i32) -> (i32, i32) {
    %c0_i32 = arith.constant 0 : i32
    %c0_i32_0 = arith.constant 0 : i32
    return %c0_i32, %arg0 : i32, i32
  }
  func.func @transform_2(%arg0: i32) -> (i32, i32) {
    %c0_i32 = arith.constant 0 : i32
    %c0_i32_0 = arith.constant 0 : i32
    %c0_i32_1 = arith.constant 0 : i32
    return %c0_i32, %c0_i32_0 : i32, i32
  }
  func.func @transform_3(%arg0: i32) -> (i32, i32) {
    %c0_i32 = arith.constant 0 : i32
    %c0_i32_0 = arith.constant 0 : i32
    return %c0_i32, %arg0 : i32, i32
  }
}

</mosaic_0001>

<sc_bundles>
// kernel: sc_embed_gather.3.cloned.1.call-start
scs
__scs_entry_jumppad:
0x0: {  	(pc) =	sbr.rel $0x88, $3  }
0x1: {  	(tag) =	ssettag $0x0;
	lr =	simm.s32 $0x1  }
0x2: {  	[smem:$0x3F9D] =	sst lr;
	_ =	strace $0xD0000000  }
0x3: {  	_ = 	snop  }
0x4: {  	_ = 	snop  }
0x5: {  	_ = 	snop  }
0x6: {  	_ = 	snop  }
0x7: {  	_ = 	snop  }
__scs_overlays_trampoline_lowered:
0x8: {  	[smem:$0x3FAC] =	sst s0  }
0x9: {  	[smem:$0x3FAD] =	sst s1  }
0xa: {  	[smem:$0x3FAE] =	sst s2  }
0xb: {  	[smem:$0x3FAF] =	sst s3  }
0xc: {  	[smem:$0x3FB0] =	sst s4  }
0xd: {  	[smem:$0x3FB1] =	sst s5  }
0xe: {  	[smem:$0x3FB2] =	sst s6  }
0xf: {  	[smem:$0x3FB3] =	sst s7  }
0x10: {  	[smem:$0x3FB4] =	sst s8  }
0x11: {  	[smem:$0x3FB5] =	sst s9;
	s0 =	simm.s32 @!p0 $0x0  }
0x12: {  	s1 =	sld [smem:$0x3F9B];
	s0 =	simm.s32 @p0 $0x1  }
0x13: {  	[smem:$0x3FB6] =	sst s0;
	s0 =	simm.s32 @!p1 $0x0  }
0x14: {  	s2 =	sld [smem:$0x3F9A];
	s0 =	simm.s32 @p1 $0x1  }
0x15: {  	[smem:$0x3FB7] =	sst s0;
	s0 =	simm.s32 @!p2 $0x0  }
0x16: {  	s3 =	sld [smem:$0x3FDB];
	s0 =	simm.s32 @p2 $0x1  }
0x17: {  	s4 =	simm.s32 $0x1BF5;
	[smem:$0x3FB9] =	sst s0  }
0x18: {  	s0 =	sld [smem:$0x3F9C];
	_ =	swait.ge [sflag:s4], $0x0  }
0x19: {  	s7 =	sld [smem:$0x3F9D]  }
0x1a: {  	s8 =	sadd.s32 $0xFFFFE003, lr  }
0x1b: {  	s9 =	sadd.s32 $0xFFFFFEF7, lr;
	s5 =	simm.s32 $0xFFFFFFFF;
	p2 =	slt.u32 s8, $0xFFFFF086  }
0x1c: {  	p1 =	slt.u32 s9, $0xF7A;
	s5 =	simm.s32 @!p2 $0x0  }
0x1d: {  	s5 =	simm.s32 @p1 $0x1;
	p0 =	seq.s32 s7, s2  }
0x1e: {  	s7 =	smul.u32 @!p0 $0xF7A, s2;
	p2 =	seq.s32 @!p0 s5, $0x0  }
0x1f: {  	s9 =	smul.u32 $0xF7A, s1;
	s8 =	simm.s32 @!p0 $0x1BF5;
	p2 =	por !p2, p0  }
0x20: {  	[sflag:s8] =	ssyncset.s32 @!p0 $0xFFFFF086;
	s6 =	sadd.s32 @!p0 s3, s7;
	s7 =	simm.s32 @!p0 $0x108  }
0x21: {  	s3 =	sadd.s32 s3, s9;
	s6 =	sadd.s32 @!p0 $0x88, s6;
	s7 =	simm.s32 @p2 $0x1082  }
0x22: {  	[simem:s7], [sflag:s8] =	dma.local @!p0 [hbm:s6], $0xF7A  }
0x23: {  	s9 =	sor.u32 $0xD0000000, s2;
	s6 =	simm.s32 $0x108;
	_ =	swait.ge @!p0 [sflag:s8], $0x0  }
0x24: {  	s3 =	sadd.s32 $0x88, s3;
	s6 =	simm.s32 @!p1 $0x1082;
	[sflag:s4] =	ssyncset.s32 $0xFFFFF086  }
0x25: {  	[simem:s6], [sflag:s4] =	dma.local [hbm:s3], $0xF7A  }
0x26: {  	[smem:$0x3F9D] =	sst s1;
	(tag) =	ssettag s2;
	_ =	strace s9  }
0x27: {  	s1 =	sld [smem:$0x3FAD]  }
0x28: {  	s2 =	sld [smem:$0x3FAE]  }
0x29: {  	s4 =	sld [smem:$0x3FB0]  }
0x2a: {  	p0 =	seq.s32 s5, $0x0;
	s5 =	sld [smem:$0x3FB1]  }
0x2b: {  	s6 =	sld [smem:$0x3FB2]  }
0x2c: {  	s7 =	sld [smem:$0x3FB3]  }
0x2d: {  	s3 =	simm.s32 $0x108;
	s8 =	sld [smem:$0x3FB4]  }
0x2e: {  	s3 =	simm.s32 @!p0 $0x1082;
	s9 =	sld [smem:$0x3FB5]  }
0x2f: {  	lr =	sadd.s32 s0, s3;
	s0 =	sld [smem:$0x3FAC]  }
0x30: {  	s3 =	sld [smem:$0x3FAF]  }
0x31: {  	[smem:$0x3FB8] =	sst s10  }
0x32: {  	s10 =	sld [smem:$0x3FB6];
	_ =	sdelay $0x3  }
0x33: {  	p0 =	seq.s32 s10, $0x1;
	s10 =	sld [smem:$0x3FB8];
	_ =	sdelay $0x3  }
0x34: {  	[smem:$0x3FB8] =	sst s10  }
0x35: {  	s10 =	sld [smem:$0x3FB7];
	_ =	sdelay $0x3  }
0x36: {  	p1 =	seq.s32 s10, $0x1;
	s10 =	sld [smem:$0x3FB8];
	_ =	sdelay $0x3  }
0x37: {  	[smem:$0x3FB8] =	sst s10  }
0x38: {  	s10 =	sld [smem:$0x3FB9]  }
0x39: {  	_ = 	snop;
	(pc) =	sbr.ind lr, $3  }
0x3a: {  	_ = 	snop  }
0x3b: {  	_ = 	snop  }
0x3c: {  	p2 =	seq.s32 s10, $0x1;
	s10 =	sld [smem:$0x3FB8]  }
0x3d: {  	_ =	shalt  }
0x3e: {  	_ =	shalt  }
0x3f: {  	_ =	shalt  }
0x40: {  	_ =	shalt  }
0x41: {  	_ =	shalt  }
0x42: {  	_ =	shalt  }
0x43: {  	_ =	shalt  }
0x44: {  	_ =	shalt  }
0x45: {  	_ =	shalt  }
0x46: {  	_ =	shalt  }
0x47: {  	_ =	shalt  }
0x48: {  	_ =	shalt  }
0x49: {  	_ =	shalt  }
0x4a: {  	_ =	shalt  }
0x4b: {  	_ =	shalt  }
0x4c: {  	_ =	shalt  }
0x4d: {  	_ =	shalt  }
0x4e: {  	_ =	shalt  }
0x4f: {  	_ =	shalt  }
0x50: {  	_ =	shalt  }
0x51: {  	_ =	shalt  }
0x52: {  	_ =	shalt  }
0x53: {  	_ =	shalt  }
0x54: {  	_ =	shalt  }
0x55: {  	_ =	shalt  }
0x56: {  	_ =	shalt  }
0x57: {  	_ =	shalt  }
0x58: {  	_ =	shalt  }
0x59: {  	_ =	shalt  }
0x5a: {  	_ =	shalt  }
0x5b: {  	_ =	shalt  }
0x5c: {  	_ =	shalt  }
0x5d: {  	_ =	shalt  }
0x5e: {  	_ =	shalt  }
0x5f: {  	_ =	shalt  }
0x60: {  	_ =	shalt  }
0x61: {  	_ =	shalt  }
0x62: {  	_ =	shalt  }
0x63: {  	_ =	shalt  }
0x64: {  	_ =	shalt  }
0x65: {  	_ =	shalt  }
0x66: {  	_ =	shalt  }
0x67: {  	_ =	shalt  }
0x68: {  	_ =	shalt  }
0x69: {  	_ =	shalt  }
0x6a: {  	_ =	shalt  }
0x6b: {  	_ =	shalt  }
0x6c: {  	_ =	shalt  }
0x6d: {  	_ =	shalt  }
0x6e: {  	_ =	shalt  }
0x6f: {  	_ =	shalt  }
0x70: {  	_ =	shalt  }
0x71: {  	_ =	shalt  }
0x72: {  	_ =	shalt  }
0x73: {  	_ =	shalt  }
0x74: {  	_ =	shalt  }
0x75: {  	_ =	shalt  }
0x76: {  	_ =	shalt  }
0x77: {  	_ =	shalt  }
0x78: {  	_ =	shalt  }
0x79: {  	_ =	shalt  }
0x7a: {  	_ =	shalt  }
0x7b: {  	_ =	shalt  }
0x7c: {  	_ =	shalt  }
0x7d: {  	_ =	shalt  }
0x7e: {  	_ =	shalt  }
0x7f: {  	_ =	shalt  }
0x80: {  	_ =	shalt  }
0x81: {  	_ =	shalt  }
0x82: {  	_ =	shalt  }
0x83: {  	_ =	shalt  }
0x84: {  	_ =	shalt  }
0x85: {  	_ =	shalt  }
0x86: {  	_ =	shalt  }
0x87: {  	_ =	shalt  }
.Lfunc_end0:
.L_simem_size_0:
called_computation_lowered:
.L_overlay_start_0:
0x88: {  	s2 =	sld [smem:$0x3FD9]  }
0x89: {  	s3 =	sld [smem:$0x3FFE];
	_ =	sdelay $0x1  }
0x8a: {  	s1 =	srdreg.scid  }
0x8b: {  	s0 =	sand.u32 $0x1, s1  }
0x8c: {  	s17 =	sshll.u32 s0, $0xA;
	s2 =	sadd.s32 s3, s2  }
0x8d: {  	s2 =	sadd.s32 s2, s17  }
0x8e: {  	[smem:$0x3FC4] =	sst s2  }
0x8f: {  	_ = 	snop  }
0x90: {  	s2 =	sld [smem:$0x3FC9]  }
0x91: {  	s18 =	sld [smem:$0x3FC8];
	(tm) =	ssettm $0x1  }
0x92: {  	s4 =	sld [smem:$0x3FFB];
	_ =	sdelay $0x3  }
0x93: {  	_ =	strace s4  }
0x94: {  	s4 =	sld [smem:$0x3FFC];
	_ =	sdelay $0x3  }
0x95: {  	_ =	strace s4  }
0x96: {  	s4 =	sld [smem:$0x3FFD];
	_ =	sdelay $0x3  }
0x97: {  	_ =	strace s4  }
0x98: {  	_ =	strace $0x8FFFFFFF  }
0x99: {  	s19 =	sld [smem:$0x3FDB];
	_ =	sdelay $0x1  }
0x9a: {  	s5 =	simm.s32 $_scs_section_size  }
0x9b: {  	s6 =	simm.s32 $_size__tile_overlayer_lowered;
	s7 =	simm.s32 $_tile_overlayer_lowered  }
0x9c: {  	s22 =	simm.s32 $0x1BFF;
	s21 =	sshll.u32 s7, $0x1;
	s4 =	sadd.s32 s5, s19  }
0x9d: {  	s8 =	simm.s32 $0x0;
	s20 =	sshll.u32 s6, $0x1;
	s6 =	sadd.s32 s21, s4  }
0x9e: {  	[timem:s8], [sflag:s22] =	dma.local [hbm:s6], s20  }
0x9f: {  	_ =	swait.ge [sflag:s22], s20  }
0xa0: {  	s5 =	ssub.s32 $0x0, s20;
	[sflag:s22] =	ssyncset.done $0x0  }
0xa1: {  	[sflag:s22] =	ssyncadd.s32 s5;
	_ =	sdelay $0x1  }
0xa2: {  	s23 =	simm.s32 $0x1B8B  }
0xa3: {  	_ =	swait.ge [sflag:s23], $0x1  }
0xa4: {  	[sflag:s23] =	ssyncset.done $0x0  }
0xa5: {  	s25 =	simm.s32 $0x1B8E;
	s24 =	sld [smem:$0x3FFE];
	[sflag:s23] =	ssyncadd.s32 $0xFFFFFFFF  }
0xa6: {  	s26 =	simm.s32 $execute0_lowered;
	[smem:$0x3FD2] =	sst s25  }
0xa7: {  	s6 =	sshll.u32 s26, $0x1;
	_ =	strace $0x80000046;
	[dreg:$0x1] =	wrdreg $0xFFFFFFFF  }
0xa8: {  	s28 =	simm.s32 $_size_execute0_lowered;
	s4 =	sadd.s32 s4, s6;
	[dreg:$0x0] =	wrdreg $0x0  }
0xa9: {  	s6 =	sshll.u32 s28, $0x1;
	[dreg:$0x2] =	wrdreg s4  }
0xaa: {  	[dreg:$0x3] =	wrdreg s6  }
0xab: {  	[dreg:$0x4] =	wrdreg $0xC0  }
0xac: {  	_ =	task [dreg:s8], $0x5FFFF  }
0xad: {  	[dreg:$0x1] =	wrdreg $0xFFFFFFFF  }
0xae: {  	[dreg:$0x0] =	wrdreg $0x60  }
0xaf: {  	[dreg:$0x2] =	wrdreg s18  }
0xb0: {  	[dreg:$0x3] =	wrdreg s2  }
0xb1: {  	[dreg:$0x4] =	wrdreg s24  }
0xb2: {  	[dreg:$0x5] =	wrdreg $0x9  }
0xb3: {  	_ =	task.clear_ibuf [dreg:s8], $0x6FFFF;
	_ =	strace $0x90000046  }
0xb4: {  	s29 =	simm.s32 $0x9;
	_ =	strace $0x80000048  }
0xb5: {  	_ =	swait.ge [sflag:s29], $0x1  }
0xb6: {  	[sflag:s29] =	ssyncadd.s32 $0xFFFFFFFF  }
0xb7: {  	_ =	strace $0x90000048  }
0xb8: {  	_ =	sfence  }
0xb9: {  	s30 =	sld [smem:$0x0];
	_ =	sdelay $0x2  }
0xba: {  	s31 =	sshll.u32 s1, $0xD;
	s1 =	sshrl.u32 s1, $0x2  }
0xbb: {  	s3 =	sand.u32 $0x4000, s31;
	s1 =	sadd.s32 s1, s30  }
0xbc: {  	s0 =	sor.u32 s3, s0;
	s1 =	sshll.u32 s1, $0x11  }
0xbd: {  	s0 =	sor.u32 s1, s0  }
0xbe: {  	s0 =	sadd.s32 $0x8F2B, s0  }
0xbf: {  	[sflag:s0] =	ssyncadd.remote.s32 $0x1  }
0xc0: {  	_ =	sfence.sel $0xFFFF  }
0xc1: {  	[dreg:$0x0] =	wrdreg $0xFFFFFFFF;
	(pc) =	sbr.abs _section_cstart, $3  }
0xc2: {  	[dreg:$0x1] =	wrdreg $0xFFFFFFFF  }
0xc3: {  	_ =	task.clear_ibuf [dreg:s8], $0x2FFFF;
	_ =	strace $0x9FFFFFFF  }
0xc4: {  	(tm) =	ssettm $0x7FFFFFFF  }
0xc5: {  	_ =	shalt  }
tec
execute0_lowered:
.L_overlay_start_1:
0x0: {  	(tag) =	ssettag $0x1  }
0x1: {  	s2 =	rddreg [dreg:$0x0]  }
0x2: {  	s1 =	srdreg.scid;
	s4 =	rddreg [dreg:$0x1]  }
0x3: {  	s0 =	stileid.u32;
	s10 =	rddreg [dreg:$0x2];
	s12 =	simm.s32 $0x80  }
0x4: {  	s13 =	simm.s32 $0x400;
	s6 =	sand.u32 $0x1, s1;
	s29 =	sshll.u32 s0, $0x1  }
0x5: {  	s14 =	simm.s32 $0x1;
	s15 =	simm.s32 $0x1C700;
	s7 =	sor.u32 s6, s29  }
0x6: {  	s16 =	simm.s32 $0x1D700;
	s17 =	simm.s32 $0x3;
	s3 =	smul.u32 $0xD, s7  }
0x7: {  	s18 =	simm.s32 $0x0;
	s1 =	rddreg [dreg:$0x3];
	s11 =	ssub.s32 $0x2, s6  }
0x8: {  	s7 =	smul.u32 $0x280, s7;
	s5 =	sshrl.u32 s3, $0x4;
	s9 =	sshll.u32 s3, $0x1C  }
0x9: {  	s31 =	sshrl.u32 s11, $0x1;
	s8 =	smul.u32 $0x187000, s5;
	s9 =	sshra.s32 s9, $0x1F  }
0xa: {  	s6 =	sadd.s32 $0x800, s10;
	s11 =	ssub.s32 s11, s31;
	s9 =	sand.u32 $0xC3800, s9  }
0xb: {  	s7 =	sand.u32 $0x380, s7;
	s5 =	simm.s32 $0x0;
	s30 =	sadd.s32 s8, s9  }
0xc: {  	s11 =	smax.u32 s11, $0x1;
	[smem:$0x7FF] =	sst s5;
	s7 =	sor.u32 s7, s30  }
0xd: {  	_ =	strace $0x80000047;
	s8 =	sadd.s32 $0x1800, s10;
	s7 =	sshrl.u32 s7, $0x3  }
0xe: {  	s9 =	sadd.s32 $0x2800, s10;
	s10 =	sadd.s32 $0x3800, s10;
	s7 =	sadd.s32 s2, s7  }
.LBB2_1:
0xf: {  	[tilespmem:s5], [sflag:$0x1] =	stream.strided.gather [hbm4b:s7+s12], $0x18700, s13, s12, $0x38;
	[tilespmem:$0x1E700] =	vst v63  }
0x10: {  	s20 =	simm.s32 $0xFFFFFFFF;
	s19 =	simm.s32 $0x0  }
.LBB2_2:
0x11: {  	s21 =	sadd.s32 s3, s19  }
0x12: {  	s22 =	smov.u32 s20;
	s20 =	sshrl.u32 s21, $0x4  }
0x13: {  	p0 =	seq.s32 s20, s22  }
0x14: {  	s22 =	sshll.u32 @!p0 s21, $0x7;
	s23 =	sand.u32 @!p0 $0x70, s21  }
0x15: {  	s24 =	simm.s32 @!p0 $0x400;
	s22 =	sand.u32 @!p0 $0xFFFC000, s22;
	s23 =	sadd.s32 @!p0 s4, s23  }
0x16: {  	s25 =	simm.s32 @!p0 $0x18700;
	s22 =	sadd.s32 @!p0 s22, s23;
	s23 =	simm.s32 @!p0 $0x80  }
0x17: {  	[tilespmem:s25], [sflag:$0x2] =	stream.strided.gather @!p0 [hbm4b:s22+s23], $0x4000, s24, s23, $0x38;
	[tilespmem:$0x1E700] =	vst v63  }
0x18: {  	s22 =	simm.s32 @!p0 $0x2  }
0x19: {  	_ =	swait.ge @!p0 [sflag:s22], $0x4000  }
0x1a: {  	[sflag:s22] =	ssyncset.done @!p0 $0x0  }
0x1b: {  	[sflag:s22] =	ssyncadd.s32 @!p0 $0xFFFFC000  }
0x1c: {  	_ =	swait.ge [sflag:s14], $0x18700  }
0x1d: {  	p0 =	seq.s32 s19, $0x0;
	[sflag:s14] =	ssyncset.done $0x0  }
0x1e: {  	s22 =	simm.s32 @!p0 $0x3;
	[sflag:s14] =	ssyncadd.s32 $0xFFFE7900  }
0x1f: {  	_ =	swait.ge @!p0 [sflag:s22], $0x1000  }
0x20: {  	[sflag:s22] =	ssyncset.done @!p0 $0x0  }
0x21: {  	[sflag:s22] =	ssyncadd.s32 @!p0 $0xFFFFF000;
	s22 =	simm.s32 $0x0  }
0x22: {  	v0 =	vld [tilespmem:s22+$0x18700]  }
0x23: {  	v1 =	vld [tilespmem:s22+$0x18770]  }
0x24: {  	v2 =	vld [tilespmem:s22+$0x18710]  }
0x25: {  	v3 =	vld [tilespmem:s22+$0x18720]  }
0x26: {  	v4 =	vld [tilespmem:s22+$0x18730]  }
0x27: {  	v7 =	vld [tilespmem:s22+$0x18740]  }
0x28: {  	v8 =	vld [tilespmem:s22+$0x18750]  }
0x29: {  	v9 =	vld [tilespmem:s22+$0x18760]  }
0x2a: {  	v10 =	vld.idx.msk [tilespmem:v0+s5+$0x0], $0xffff  }
0x2b: {  	v0 =	vld.idx.msk [tilespmem:v1+s5+$0x0], $0xffff  }
0x2c: {  	v6 =	vld.idx.msk [tilespmem:v2+s5+$0x0], $0xffff  }
0x2d: {  	v5 =	vld.idx.msk [tilespmem:v3+s5+$0x0], $0xffff  }
0x2e: {  	v4 =	vld.idx.msk [tilespmem:v4+s5+$0x0], $0xffff  }
0x2f: {  	v3 =	vld.idx.msk [tilespmem:v7+s5+$0x0], $0xffff  }
0x30: {  	v2 =	vld.idx.msk [tilespmem:v8+s5+$0x0], $0xffff  }
0x31: {  	s23 =	simm.s32 $0x80;
	v1 =	vld.idx.msk [tilespmem:v9+s5+$0x0], $0xffff;
	[tilespmem:s22+$0x1C770] =	vst v0  }
0x32: {  	s24 =	simm.s32 $0x400;
	v0 =	vld [tilespmem:s23+$0x18700];
	[tilespmem:s22+$0x1C700] =	vst v10  }
.LBB2_3:
0x33: {  	p1 =	sne.s32 s24, $0x3E00;
	v7 =	vld [tilespmem:s23+$0x18770];
	[tilespmem:s22+$0x1C710] =	vst v6  }
0x34: {  	v6 =	vld [tilespmem:s23+$0x18710];
	[tilespmem:s22+$0x1C720] =	vst v5  }
0x35: {  	v5 =	vld [tilespmem:s23+$0x18720];
	[tilespmem:s22+$0x1C730] =	vst v4  }
0x36: {  	v4 =	vld [tilespmem:s23+$0x18730];
	[tilespmem:s22+$0x1C740] =	vst v3  }
0x37: {  	v3 =	vld [tilespmem:s23+$0x18740];
	[tilespmem:s22+$0x1C750] =	vst v2  }
0x38: {  	v2 =	vld [tilespmem:s23+$0x18750];
	[tilespmem:s22+$0x1C760] =	vst v1;
	s22 =	smov.u32 s23  }
0x39: {  	v1 =	vld [tilespmem:s22+$0x18760]  }
0x3a: {  	v8 =	vld.idx.msk [tilespmem:v0+s5+$0x0], $0xffff  }
0x3b: {  	v0 =	vld.idx.msk [tilespmem:v7+s5+$0x0], $0xffff  }
0x3c: {  	v6 =	vld.idx.msk [tilespmem:v6+s5+$0x0], $0xffff  }
0x3d: {  	v5 =	vld.idx.msk [tilespmem:v5+s5+$0x0], $0xffff  }
.Ltmp0:
0x3e: {  	v4 =	vld.idx.msk [tilespmem:v4+s5+$0x0], $0xffff;
	(pc) =	sbr.rel @p1 .LBB2_3-.Ltmp0, $4  }
0x3f: {  	v3 =	vld.idx.msk [tilespmem:v3+s5+$0x0], $0xffff  }
0x40: {  	v2 =	vld.idx.msk [tilespmem:v2+s5+$0x0], $0xffff  }
0x41: {  	s23 =	sshra.s32 s24, $0x2;
	v1 =	vld.idx.msk [tilespmem:v1+s5+$0x0], $0xffff;
	[tilespmem:s22+$0x1C770] =	vst v0  }
0x42: {  	s24 =	sadd.s32 $0x200, s24;
	v0 =	vld [tilespmem:s23+$0x18700];
	[tilespmem:s22+$0x1C700] =	vst v8  }
0x43: {  	_ = 	snop  }
0x44: {  	v7 =	vld [tilespmem:s23+$0x18770];
	[tilespmem:s22+$0x1C710] =	vst v6  }
0x45: {  	v6 =	vld [tilespmem:s23+$0x18710];
	[tilespmem:s22+$0x1C720] =	vst v5  }
0x46: {  	v5 =	vld [tilespmem:s23+$0x18720];
	[tilespmem:s22+$0x1C730] =	vst v4  }
0x47: {  	v4 =	vld [tilespmem:s23+$0x18730];
	[tilespmem:s22+$0x1C740] =	vst v3  }
0x48: {  	v3 =	vld [tilespmem:s23+$0x18740];
	[tilespmem:s22+$0x1C750] =	vst v2  }
0x49: {  	v2 =	vld [tilespmem:s23+$0x18750];
	[tilespmem:s22+$0x1C760] =	vst v1  }
0x4a: {  	v1 =	vld [tilespmem:s23+$0x18760]  }
0x4b: {  	v0 =	vld.idx.msk [tilespmem:v0+s5+$0x0], $0xffff  }
0x4c: {  	v7 =	vld.idx.msk [tilespmem:v7+s5+$0x0], $0xffff  }
0x4d: {  	v6 =	vld.idx.msk [tilespmem:v6+s5+$0x0], $0xffff  }
0x4e: {  	v5 =	vld.idx.msk [tilespmem:v5+s5+$0x0], $0xffff  }
0x4f: {  	v4 =	vld.idx.msk [tilespmem:v4+s5+$0x0], $0xffff  }
0x50: {  	v3 =	vld.idx.msk [tilespmem:v3+s5+$0x0], $0xffff  }
0x51: {  	v2 =	vld.idx.msk [tilespmem:v2+s5+$0x0], $0xffff  }
0x52: {  	v1 =	vld.idx.msk [tilespmem:v1+s5+$0x0], $0xffff;
	[tilespmem:s23+$0x1C770] =	vst v7  }
0x53: {  	[tilespmem:s23+$0x1C700] =	vst v0  }
0x54: {  	[tilespmem:s23+$0x1C710] =	vst v6  }
0x55: {  	[tilespmem:s23+$0x1C720] =	vst v5  }
0x56: {  	s30 =	sshll.u32 s21, $0xB;
	s24 =	sshll.u32 s21, $0x4;
	[tilespmem:s23+$0x1C730] =	vst v4  }
0x57: {  	s24 =	sand.u32 $0x70, s24;
	s22 =	sand.u32 $0xFFFC000, s30;
	[tilespmem:s23+$0x1C740] =	vst v3  }
0x58: {  	s22 =	sor.u32 s24, s22;
	[tilespmem:s23+$0x1C750] =	vst v2  }
0x59: {  	s31 =	sadd.s32 s6, s22;
	[tilespmem:s23+$0x1C760] =	vst v1;
	s23 =	simm.s32 @!p0 $0x3  }
0x5a: {  	[hbm4b:s31+s12] =	stream.strided.scatter [tilespmem:s15], [sflag:$0x3], $0x1000, s13, s12, $0x38;
	[tilespmem:$0x1E700] =	vst v63  }
0x5b: {  	_ =	swait.ge @!p0 [sflag:s23], $0x1000  }
0x5c: {  	[sflag:s23] =	ssyncset.done @!p0 $0x0  }
0x5d: {  	[sflag:s23] =	ssyncadd.s32 @!p0 $0xFFFFF000;
	s23 =	simm.s32 $0x40  }
0x5e: {  	v0 =	vld [tilespmem:s23+$0x196C0]  }
0x5f: {  	v1 =	vld [tilespmem:s23+$0x19730]  }
0x60: {  	v2 =	vld [tilespmem:s23+$0x196D0]  }
0x61: {  	v3 =	vld [tilespmem:s23+$0x196E0]  }
0x62: {  	v4 =	vld [tilespmem:s23+$0x196F0]  }
0x63: {  	v7 =	vld [tilespmem:s23+$0x19700]  }
0x64: {  	v8 =	vld [tilespmem:s23+$0x19710]  }
0x65: {  	v9 =	vld [tilespmem:s23+$0x19720]  }
0x66: {  	v10 =	vld.idx.msk [tilespmem:v0+s5+$0x0], $0xffff  }
0x67: {  	v0 =	vld.idx.msk [tilespmem:v1+s5+$0x0], $0xffff  }
0x68: {  	v6 =	vld.idx.msk [tilespmem:v2+s5+$0x0], $0xffff  }
0x69: {  	v5 =	vld.idx.msk [tilespmem:v3+s5+$0x0], $0xffff  }
0x6a: {  	v4 =	vld.idx.msk [tilespmem:v4+s5+$0x0], $0xffff  }
0x6b: {  	v3 =	vld.idx.msk [tilespmem:v7+s5+$0x0], $0xffff  }
0x6c: {  	v2 =	vld.idx.msk [tilespmem:v8+s5+$0x0], $0xffff  }
0x6d: {  	s24 =	simm.s32 $0xC0;
	v1 =	vld.idx.msk [tilespmem:v9+s5+$0x0], $0xffff;
	[tilespmem:s23+$0x1D730] =	vst v0  }
0x6e: {  	s25 =	simm.s32 $0x500;
	v0 =	vld [tilespmem:s24+$0x196C0];
	[tilespmem:s23+$0x1D6C0] =	vst v10  }
.LBB2_5:
0x6f: {  	p0 =	sne.s32 s25, $0x3F00;
	v7 =	vld [tilespmem:s24+$0x19730];
	[tilespmem:s23+$0x1D6D0] =	vst v6  }
0x70: {  	v6 =	vld [tilespmem:s24+$0x196D0];
	[tilespmem:s23+$0x1D6E0] =	vst v5  }
0x71: {  	v5 =	vld [tilespmem:s24+$0x196E0];
	[tilespmem:s23+$0x1D6F0] =	vst v4  }
0x72: {  	v4 =	vld [tilespmem:s24+$0x196F0];
	[tilespmem:s23+$0x1D700] =	vst v3  }
0x73: {  	v3 =	vld [tilespmem:s24+$0x19700];
	[tilespmem:s23+$0x1D710] =	vst v2  }
0x74: {  	v2 =	vld [tilespmem:s24+$0x19710];
	[tilespmem:s23+$0x1D720] =	vst v1;
	s23 =	smov.u32 s24  }
0x75: {  	v1 =	vld [tilespmem:s23+$0x19720]  }
0x76: {  	v8 =	vld.idx.msk [tilespmem:v0+s5+$0x0], $0xffff  }
0x77: {  	v0 =	vld.idx.msk [tilespmem:v7+s5+$0x0], $0xffff  }
0x78: {  	v6 =	vld.idx.msk [tilespmem:v6+s5+$0x0], $0xffff  }
0x79: {  	v5 =	vld.idx.msk [tilespmem:v5+s5+$0x0], $0xffff  }
.Ltmp1:
0x7a: {  	v4 =	vld.idx.msk [tilespmem:v4+s5+$0x0], $0xffff;
	(pc) =	sbr.rel @p0 .LBB2_5-.Ltmp1, $4  }
0x7b: {  	v3 =	vld.idx.msk [tilespmem:v3+s5+$0x0], $0xffff  }
0x7c: {  	v2 =	vld.idx.msk [tilespmem:v2+s5+$0x0], $0xffff  }
0x7d: {  	s24 =	sshra.s32 s25, $0x2;
	v1 =	vld.idx.msk [tilespmem:v1+s5+$0x0], $0xffff;
	[tilespmem:s23+$0x1D730] =	vst v0  }
0x7e: {  	s25 =	sadd.s32 $0x200, s25;
	v0 =	vld [tilespmem:s24+$0x196C0];
	[tilespmem:s23+$0x1D6C0] =	vst v8  }
0x7f: {  	_ = 	snop  }
0x80: {  	v7 =	vld [tilespmem:s24+$0x19730];
	[tilespmem:s23+$0x1D6D0] =	vst v6  }
0x81: {  	v6 =	vld [tilespmem:s24+$0x196D0];
	[tilespmem:s23+$0x1D6E0] =	vst v5  }
0x82: {  	v5 =	vld [tilespmem:s24+$0x196E0];
	[tilespmem:s23+$0x1D6F0] =	vst v4  }
0x83: {  	v4 =	vld [tilespmem:s24+$0x196F0];
	[tilespmem:s23+$0x1D700] =	vst v3  }
0x84: {  	v3 =	vld [tilespmem:s24+$0x19700];
	[tilespmem:s23+$0x1D710] =	vst v2  }
0x85: {  	v2 =	vld [tilespmem:s24+$0x19710];
	[tilespmem:s23+$0x1D720] =	vst v1  }
0x86: {  	v1 =	vld [tilespmem:s24+$0x19720]  }
0x87: {  	v0 =	vld.idx.msk [tilespmem:v0+s5+$0x0], $0xffff  }
0x88: {  	v7 =	vld.idx.msk [tilespmem:v7+s5+$0x0], $0xffff  }
0x89: {  	v6 =	vld.idx.msk [tilespmem:v6+s5+$0x0], $0xffff  }
0x8a: {  	v5 =	vld.idx.msk [tilespmem:v5+s5+$0x0], $0xffff  }
0x8b: {  	v4 =	vld.idx.msk [tilespmem:v4+s5+$0x0], $0xffff  }
0x8c: {  	v3 =	vld.idx.msk [tilespmem:v3+s5+$0x0], $0xffff  }
0x8d: {  	v2 =	vld.idx.msk [tilespmem:v2+s5+$0x0], $0xffff  }
0x8e: {  	v1 =	vld.idx.msk [tilespmem:v1+s5+$0x0], $0xffff;
	[tilespmem:s24+$0x1D730] =	vst v7  }
0x8f: {  	[tilespmem:s24+$0x1D6C0] =	vst v0  }
0x90: {  	[tilespmem:s24+$0x1D6D0] =	vst v6  }
0x91: {  	[tilespmem:s24+$0x1D6E0] =	vst v5  }
0x92: {  	[tilespmem:s24+$0x1D6F0] =	vst v4  }
0x93: {  	[tilespmem:s24+$0x1D700] =	vst v3  }
0x94: {  	[tilespmem:s24+$0x1D710] =	vst v2  }
0x95: {  	s31 =	sadd.s32 s22, s8;
	[tilespmem:s24+$0x1D720] =	vst v1  }
0x96: {  	[hbm4b:s31+s12] =	stream.strided.scatter [tilespmem:s16], [sflag:$0x3], $0x1000, s13, s12, $0x38;
	[tilespmem:$0x1E700] =	vst v63  }
0x97: {  	_ =	swait.ge [sflag:s17], $0x1000  }
0x98: {  	[sflag:s17] =	ssyncset.done $0x0  }
0x99: {  	s23 =	simm.s32 $0x0;
	[sflag:s17] =	ssyncadd.s32 $0xFFFFF000  }
0x9a: {  	v0 =	vld [tilespmem:s23+$0x1A700]  }
0x9b: {  	v1 =	vld [tilespmem:s23+$0x1A770]  }
0x9c: {  	v2 =	vld [tilespmem:s23+$0x1A710]  }
0x9d: {  	v3 =	vld [tilespmem:s23+$0x1A720]  }
0x9e: {  	v4 =	vld [tilespmem:s23+$0x1A730]  }
0x9f: {  	v7 =	vld [tilespmem:s23+$0x1A740]  }
0xa0: {  	v8 =	vld [tilespmem:s23+$0x1A750]  }
0xa1: {  	v9 =	vld [tilespmem:s23+$0x1A760]  }
0xa2: {  	v10 =	vld.idx.msk [tilespmem:v0+s5+$0x0], $0xffff  }
0xa3: {  	v0 =	vld.idx.msk [tilespmem:v1+s5+$0x0], $0xffff  }
0xa4: {  	v6 =	vld.idx.msk [tilespmem:v2+s5+$0x0], $0xffff  }
0xa5: {  	v5 =	vld.idx.msk [tilespmem:v3+s5+$0x0], $0xffff  }
0xa6: {  	v4 =	vld.idx.msk [tilespmem:v4+s5+$0x0], $0xffff  }
0xa7: {  	v3 =	vld.idx.msk [tilespmem:v7+s5+$0x0], $0xffff  }
0xa8: {  	v2 =	vld.idx.msk [tilespmem:v8+s5+$0x0], $0xffff  }
0xa9: {  	s24 =	simm.s32 $0x80;
	v1 =	vld.idx.msk [tilespmem:v9+s5+$0x0], $0xffff;
	[tilespmem:s23+$0x1C770] =	vst v0  }
0xaa: {  	s25 =	simm.s32 $0x400;
	v0 =	vld [tilespmem:s24+$0x1A700];
	[tilespmem:s23+$0x1C700] =	vst v10  }
.LBB2_7:
0xab: {  	p0 =	sne.s32 s25, $0x3E00;
	v7 =	vld [tilespmem:s24+$0x1A770];
	[tilespmem:s23+$0x1C710] =	vst v6  }
0xac: {  	v6 =	vld [tilespmem:s24+$0x1A710];
	[tilespmem:s23+$0x1C720] =	vst v5  }
0xad: {  	v5 =	vld [tilespmem:s24+$0x1A720];
	[tilespmem:s23+$0x1C730] =	vst v4  }
0xae: {  	v4 =	vld [tilespmem:s24+$0x1A730];
	[tilespmem:s23+$0x1C740] =	vst v3  }
0xaf: {  	v3 =	vld [tilespmem:s24+$0x1A740];
	[tilespmem:s23+$0x1C750] =	vst v2  }
0xb0: {  	v2 =	vld [tilespmem:s24+$0x1A750];
	[tilespmem:s23+$0x1C760] =	vst v1;
	s23 =	smov.u32 s24  }
0xb1: {  	v1 =	vld [tilespmem:s23+$0x1A760]  }
0xb2: {  	v8 =	vld.idx.msk [tilespmem:v0+s5+$0x0], $0xffff  }
0xb3: {  	v0 =	vld.idx.msk [tilespmem:v7+s5+$0x0], $0xffff  }
0xb4: {  	v6 =	vld.idx.msk [tilespmem:v6+s5+$0x0], $0xffff  }
0xb5: {  	v5 =	vld.idx.msk [tilespmem:v5+s5+$0x0], $0xffff  }
.Ltmp2:
0xb6: {  	v4 =	vld.idx.msk [tilespmem:v4+s5+$0x0], $0xffff;
	(pc) =	sbr.rel @p0 .LBB2_7-.Ltmp2, $4  }
0xb7: {  	v3 =	vld.idx.msk [tilespmem:v3+s5+$0x0], $0xffff  }
0xb8: {  	v2 =	vld.idx.msk [tilespmem:v2+s5+$0x0], $0xffff  }
0xb9: {  	s24 =	sshra.s32 s25, $0x2;
	v1 =	vld.idx.msk [tilespmem:v1+s5+$0x0], $0xffff;
	[tilespmem:s23+$0x1C770] =	vst v0  }
0xba: {  	s25 =	sadd.s32 $0x200, s25;
	v0 =	vld [tilespmem:s24+$0x1A700];
	[tilespmem:s23+$0x1C700] =	vst v8  }
0xbb: {  	_ = 	snop  }
0xbc: {  	v7 =	vld [tilespmem:s24+$0x1A770];
	[tilespmem:s23+$0x1C710] =	vst v6  }
0xbd: {  	v6 =	vld [tilespmem:s24+$0x1A710];
	[tilespmem:s23+$0x1C720] =	vst v5  }
0xbe: {  	v5 =	vld [tilespmem:s24+$0x1A720];
	[tilespmem:s23+$0x1C730] =	vst v4  }
0xbf: {  	v4 =	vld [tilespmem:s24+$0x1A730];
	[tilespmem:s23+$0x1C740] =	vst v3  }
0xc0: {  	v3 =	vld [tilespmem:s24+$0x1A740];
	[tilespmem:s23+$0x1C750] =	vst v2  }
0xc1: {  	v2 =	vld [tilespmem:s24+$0x1A750];
	[tilespmem:s23+$0x1C760] =	vst v1  }
0xc2: {  	v1 =	vld [tilespmem:s24+$0x1A760]  }
0xc3: {  	v0 =	vld.idx.msk [tilespmem:v0+s5+$0x0], $0xffff  }
0xc4: {  	v7 =	vld.idx.msk [tilespmem:v7+s5+$0x0], $0xffff  }
0xc5: {  	v6 =	vld.idx.msk [tilespmem:v6+s5+$0x0], $0xffff  }
0xc6: {  	v5 =	vld.idx.msk [tilespmem:v5+s5+$0x0], $0xffff  }
0xc7: {  	v4 =	vld.idx.msk [tilespmem:v4+s5+$0x0], $0xffff  }
0xc8: {  	v3 =	vld.idx.msk [tilespmem:v3+s5+$0x0], $0xffff  }
0xc9: {  	v2 =	vld.idx.msk [tilespmem:v2+s5+$0x0], $0xffff  }
0xca: {  	v1 =	vld.idx.msk [tilespmem:v1+s5+$0x0], $0xffff;
	[tilespmem:s24+$0x1C770] =	vst v7  }
0xcb: {  	[tilespmem:s24+$0x1C700] =	vst v0  }
0xcc: {  	[tilespmem:s24+$0x1C710] =	vst v6  }
0xcd: {  	[tilespmem:s24+$0x1C720] =	vst v5  }
0xce: {  	[tilespmem:s24+$0x1C730] =	vst v4  }
0xcf: {  	[tilespmem:s24+$0x1C740] =	vst v3  }
0xd0: {  	[tilespmem:s24+$0x1C750] =	vst v2  }
0xd1: {  	s31 =	sadd.s32 s22, s9;
	[tilespmem:s24+$0x1C760] =	vst v1  }
0xd2: {  	[hbm4b:s31+s12] =	stream.strided.scatter [tilespmem:s15], [sflag:$0x3], $0x1000, s13, s12, $0x38;
	[tilespmem:$0x1E700] =	vst v63  }
0xd3: {  	_ =	swait.ge [sflag:s17], $0x1000  }
0xd4: {  	[sflag:s17] =	ssyncset.done $0x0  }
0xd5: {  	s23 =	simm.s32 $0x0;
	[sflag:s17] =	ssyncadd.s32 $0xFFFFF000  }
0xd6: {  	v0 =	vld [tilespmem:s23+$0x1B700]  }
0xd7: {  	v1 =	vld [tilespmem:s23+$0x1B770]  }
0xd8: {  	v2 =	vld [tilespmem:s23+$0x1B710]  }
0xd9: {  	v3 =	vld [tilespmem:s23+$0x1B720]  }
0xda: {  	v4 =	vld [tilespmem:s23+$0x1B730]  }
0xdb: {  	v7 =	vld [tilespmem:s23+$0x1B740]  }
0xdc: {  	v8 =	vld [tilespmem:s23+$0x1B750]  }
0xdd: {  	v9 =	vld [tilespmem:s23+$0x1B760]  }
0xde: {  	v10 =	vld.idx.msk [tilespmem:v0+s5+$0x0], $0xffff  }
0xdf: {  	v0 =	vld.idx.msk [tilespmem:v1+s5+$0x0], $0xffff  }
0xe0: {  	v6 =	vld.idx.msk [tilespmem:v2+s5+$0x0], $0xffff  }
0xe1: {  	v5 =	vld.idx.msk [tilespmem:v3+s5+$0x0], $0xffff  }
0xe2: {  	v4 =	vld.idx.msk [tilespmem:v4+s5+$0x0], $0xffff  }
0xe3: {  	v3 =	vld.idx.msk [tilespmem:v7+s5+$0x0], $0xffff  }
0xe4: {  	v2 =	vld.idx.msk [tilespmem:v8+s5+$0x0], $0xffff  }
0xe5: {  	s24 =	simm.s32 $0x80;
	v1 =	vld.idx.msk [tilespmem:v9+s5+$0x0], $0xffff;
	[tilespmem:s23+$0x1D770] =	vst v0  }
0xe6: {  	s25 =	simm.s32 $0x400;
	v0 =	vld [tilespmem:s24+$0x1B700];
	[tilespmem:s23+$0x1D700] =	vst v10  }
.LBB2_9:
0xe7: {  	p0 =	sne.s32 s25, $0x3E00;
	v7 =	vld [tilespmem:s24+$0x1B770];
	[tilespmem:s23+$0x1D710] =	vst v6  }
0xe8: {  	v6 =	vld [tilespmem:s24+$0x1B710];
	[tilespmem:s23+$0x1D720] =	vst v5  }
0xe9: {  	v5 =	vld [tilespmem:s24+$0x1B720];
	[tilespmem:s23+$0x1D730] =	vst v4  }
0xea: {  	v4 =	vld [tilespmem:s24+$0x1B730];
	[tilespmem:s23+$0x1D740] =	vst v3  }
0xeb: {  	v3 =	vld [tilespmem:s24+$0x1B740];
	[tilespmem:s23+$0x1D750] =	vst v2  }
0xec: {  	v2 =	vld [tilespmem:s24+$0x1B750];
	[tilespmem:s23+$0x1D760] =	vst v1;
	s23 =	smov.u32 s24  }
0xed: {  	v1 =	vld [tilespmem:s23+$0x1B760]  }
0xee: {  	v8 =	vld.idx.msk [tilespmem:v0+s5+$0x0], $0xffff  }
0xef: {  	v0 =	vld.idx.msk [tilespmem:v7+s5+$0x0], $0xffff  }
0xf0: {  	v6 =	vld.idx.msk [tilespmem:v6+s5+$0x0], $0xffff  }
0xf1: {  	v5 =	vld.idx.msk [tilespmem:v5+s5+$0x0], $0xffff  }
.Ltmp3:
0xf2: {  	v4 =	vld.idx.msk [tilespmem:v4+s5+$0x0], $0xffff;
	(pc) =	sbr.rel @p0 .LBB2_9-.Ltmp3, $4  }
0xf3: {  	v3 =	vld.idx.msk [tilespmem:v3+s5+$0x0], $0xffff  }
0xf4: {  	v2 =	vld.idx.msk [tilespmem:v2+s5+$0x0], $0xffff  }
0xf5: {  	s24 =	sshra.s32 s25, $0x2;
	v1 =	vld.idx.msk [tilespmem:v1+s5+$0x0], $0xffff;
	[tilespmem:s23+$0x1D770] =	vst v0  }
0xf6: {  	s25 =	sadd.s32 $0x200, s25;
	v0 =	vld [tilespmem:s24+$0x1B700];
	[tilespmem:s23+$0x1D700] =	vst v8  }
0xf7: {  	_ = 	snop  }
0xf8: {  	v7 =	vld [tilespmem:s24+$0x1B770];
	[tilespmem:s23+$0x1D710] =	vst v6  }
0xf9: {  	v6 =	vld [tilespmem:s24+$0x1B710];
	[tilespmem:s23+$0x1D720] =	vst v5  }
0xfa: {  	v5 =	vld [tilespmem:s24+$0x1B720];
	[tilespmem:s23+$0x1D730] =	vst v4  }
0xfb: {  	v4 =	vld [tilespmem:s24+$0x1B730];
	[tilespmem:s23+$0x1D740] =	vst v3  }
0xfc: {  	v3 =	vld [tilespmem:s24+$0x1B740];
	[tilespmem:s23+$0x1D750] =	vst v2  }
0xfd: {  	v2 =	vld [tilespmem:s24+$0x1B750];
	[tilespmem:s23+$0x1D760] =	vst v1  }
0xfe: {  	v1 =	vld [tilespmem:s24+$0x1B760]  }
0xff: {  	v0 =	vld.idx.msk [tilespmem:v0+s5+$0x0], $0xffff  }
0x100: {  	v7 =	vld.idx.msk [tilespmem:v7+s5+$0x0], $0xffff  }
0x101: {  	v6 =	vld.idx.msk [tilespmem:v6+s5+$0x0], $0xffff  }
0x102: {  	v5 =	vld.idx.msk [tilespmem:v5+s5+$0x0], $0xffff  }
0x103: {  	v4 =	vld.idx.msk [tilespmem:v4+s5+$0x0], $0xffff  }
0x104: {  	v3 =	vld.idx.msk [tilespmem:v3+s5+$0x0], $0xffff  }
0x105: {  	v2 =	vld.idx.msk [tilespmem:v2+s5+$0x0], $0xffff  }
0x106: {  	v1 =	vld.idx.msk [tilespmem:v1+s5+$0x0], $0xffff;
	[tilespmem:s24+$0x1D770] =	vst v7  }
0x107: {  	[tilespmem:s24+$0x1D700] =	vst v0  }
0x108: {  	[tilespmem:s24+$0x1D710] =	vst v6  }
0x109: {  	[tilespmem:s24+$0x1D720] =	vst v5  }
0x10a: {  	[tilespmem:s24+$0x1D730] =	vst v4  }
0x10b: {  	[tilespmem:s24+$0x1D740] =	vst v3  }
0x10c: {  	p0 =	seq.s32 s19, $0xC;
	[tilespmem:s24+$0x1D750] =	vst v2  }
0x10d: {  	s22 =	sadd.s32 s22, s10;
	s21 =	sadd.s32 @!p0 $0x1, s21;
	[tilespmem:s24+$0x1D760] =	vst v1  }
0x10e: {  	[hbm4b:s22+s12] =	stream.strided.scatter [tilespmem:s16], [sflag:$0x3], $0x1000, s13, s12, $0x38;
	[tilespmem:$0x1E700] =	vst v63  }
0x10f: {  	s23 =	sshll.u32 @!p0 s21, $0x1C;
	s22 =	sshrl.u32 @!p0 s21, $0x4  }
0x110: {  	s23 =	sshra.s32 @!p0 s23, $0x1F;
	s22 =	smul.u32 @!p0 $0x187000, s22  }
0x111: {  	s23 =	sand.u32 @!p0 $0xC3800, s23;
	s21 =	sshll.u32 @!p0 s21, $0x7  }
0x112: {  	s21 =	sand.u32 @!p0 $0x380, s21;
	s22 =	sadd.s32 @!p0 s22, s23  }
0x113: {  	s19 =	sadd.s32 @!p0 $0x1, s19;
	s21 =	sor.u32 @!p0 s21, s22  }
0x114: {  	p1 =	sne.s32 @!p0 s19, $0xD;
	s24 =	simm.s32 @!p0 $0x0;
	s21 =	sshrl.u32 @!p0 s21, $0x3  }
0x115: {  	s23 =	simm.s32 @!p0 $0x400;
	s22 =	simm.s32 @!p0 $0x80;
	s21 =	sadd.s32 @!p0 s2, s21  }
0x116: {  	[tilespmem:s24], [sflag:$0x1] =	stream.strided.gather @!p0 [hbm4b:s21+s22], $0x18700, s23, s22, $0x38;
	[tilespmem:$0x1E700] =	vst v63  }
0x117: {  	p0 =	por p0, !p1  }
.Ltmp4:
0x118: {  	_ = 	snop;
	(pc) =	sbr.rel @!p0 .LBB2_2-.Ltmp4, $1  }
0x119: {  	_ =	sdelay $0x3  }
0x11a: {  	s18 =	sadd.s32 $0x1, s18  }
0x11b: {  	_ =	swait.ge [sflag:s17], $0x1000;
	p0 =	sne.s32 s18, s11  }
.Ltmp5:
0x11c: {  	[sflag:s17] =	ssyncset.done $0x0;
	(pc) =	sbr.rel @p0 .LBB2_1-.Ltmp5, $4  }
0x11d: {  	[sflag:s17] =	ssyncadd.s32 $0xFFFFF000  }
0x11e: {  	_ =	swait.ge [sflag:s17], $0x1000  }
0x11f: {  	[sflag:s17] =	ssyncset.done $0x0  }
0x120: {  	[sflag:s17] =	ssyncadd.s32 $0xFFFFF000  }
0x121: {  	_ =	sfence.sel $0x180000  }
0x122: {  	[bflag:$0x0] =	sbarrier.arrive $0xFFFF  }
0x123: {  	p0 =	sne.s32 s0, $0x0;
	_ =	strace $0x90000047  }
0x124: {  	s0 =	sadd.s32 @!p0 $0x100000, s1;
	[bflag:$0x2] =	sbarrier.arrive $0xFFFF  }
0x125: {  	[sflag:s0] =	ssyncadd.tile.s32 @!p0 $0x1;
	_ =	shalt  }
.Lfunc_end2:
_tile_overlayer_lowered:
.L_overlay_start_2:
0x126: {  	(tag) =	ssettag $0x2  }
0x127: {  	s0 =	rddreg [dreg:$0x0];
	s2 =	stileid.u32  }
0x128: {  	s1 =	rddreg [dreg:$0x1];
	p0 =	sne.s32 s2, $0x0  }
0x129: {  	s3 =	rddreg [dreg:$0x2];
	[bflag:$0x3] =	sbarrier.arrive $0xFFFF;
	s2 =	simm.s32 @!p0 $0x1C04  }
0x12a: {  	[timem:s3], [sflag:s2] =	dma.local @!p0 [hbm:s0], s1  }
0x12b: {  	s0 =	simm.s32 @!p0 $0x4  }
0x12c: {  	_ =	swait.ge @!p0 [sflag:s0], s1  }
0x12d: {  	s1 =	ssub.s32 @!p0 $0x0, s1;
	[sflag:s0] =	ssyncset.done @!p0 $0x0  }
0x12e: {  	[sflag:s0] =	ssyncadd.s32 @!p0 s1  }
0x12f: {  	[bflag:$0x3] =	sbarrier.arrive $0xFFFF  }
0x130: {  	_ =	shalt  }

</sc_bundles>
